<compile_context>
chip_gen: v7x
topology: tpu7x:2x2x1
jax: 0.10.2.dev20260603
libtpu: 0.0.44.dev20260713+nightly
codegen_flags: <defaults>
</compile_context>

<pallas_src>
import functools

import jax
import jax.numpy as jnp
from jax import lax
from jax.experimental import pallas as pl
from jax.experimental.pallas import tpu as pltpu
from jax.experimental.pallas import tpu_sc as plsc

_N, _E, _D, _G = 10000, 320000, 128, 64
_NC, _NS = 2, 16
_NW = _NC * _NS
_EPW = _E // _NW
_K = 80
_NCHUNK = _EPW // _K
_STRIPE = 640
_ZROWS = 80
_R = 1000
_NBLK = _N // _R

_F32 = jnp.float32
_HI = lax.Precision.DEFAULT



def _sc_agg(x, src2d, dst2d):
    mesh = plsc.VectorSubcoreMesh(core_axis_name="c", subcore_axis_name="s")

    @functools.partial(
        pl.kernel,
        out_type=jax.ShapeDtypeStruct((_NC, _N, _D), _F32),
        mesh=mesh,
        scratch_types=[
            pltpu.VMEM((_NCHUNK, _K), jnp.int32),
            pltpu.VMEM((_NCHUNK, _K), jnp.int32),
            pltpu.VMEM((_K, _D), _F32),
            pltpu.VMEM_SHARED((_N, _D), _F32),
            pltpu.SemaphoreType.DMA,
        ],
    )
    def agg_kernel(x_hbm, src_hbm, dst_hbm, out_hbm,
                   src_v, dst_v, rows_v, acc_sh, sem):
        cid = lax.axis_index("c")
        sid = lax.axis_index("s")
        wid = sid * _NC + cid

        @pl.loop(0, _ZROWS * (_D // 16))
        def _(i):
            r = i // (_D // 16)
            c = (i % (_D // 16)) * 16
            rows_v[r, pl.ds(c, 16)] = jnp.zeros((16,), _F32)

        base = sid * _STRIPE
        nchk = jnp.where(sid == _NS - 1, (_N - (_NS - 1) * _STRIPE) // _ZROWS,
                         _STRIPE // _ZROWS)

        @pl.loop(0, nchk)
        def _(t):
            pltpu.sync_copy(rows_v, acc_sh.at[pl.ds(base + t * _ZROWS, _ZROWS)])

        pltpu.sync_copy(src_hbm.at[wid], src_v)
        pltpu.sync_copy(dst_hbm.at[wid], dst_v)

        plsc.subcore_barrier()

        @pl.loop(0, _NCHUNK)
        def _(j):
            pltpu.async_copy(x_hbm.at[src_v.at[j]], rows_v, sem).wait()
            pltpu.sync_copy(rows_v, acc_sh.at[dst_v.at[j]], add=True)

        plsc.subcore_barrier()

        @pl.loop(0, nchk)
        def _(t):
            pltpu.sync_copy(acc_sh.at[pl.ds(base + t * _ZROWS, _ZROWS)],
                            out_hbm.at[cid, pl.ds(base + t * _ZROWS, _ZROWS)])

    return agg_kernel(x, src2d, dst2d)



def _mlp_body(x_ref, a0_ref, a1_ref, w1_ref, b1_ref, w2_ref, b2_ref,
              g_ref, be_ref, o_ref):
    h = x_ref[...] + a0_ref[...] + a1_ref[...]
    h = jnp.maximum(lax.dot(h, w1_ref[...], precision=_HI) + b1_ref[...], 0.0)
    h = lax.dot(h, w2_ref[...], precision=_HI) + b2_ref[...]
    h = jnp.maximum(h, 0.0)
    mu = jnp.mean(h, axis=-1, keepdims=True)
    var = jnp.mean((h - mu) ** 2, axis=-1, keepdims=True)
    o_ref[...] = (h - mu) / jnp.sqrt(var + 1e-5) * g_ref[...] + be_ref[...]


def _tc_mlp(x, a0, a1, w1, b1, w2, b2, g, be):
    row = pl.BlockSpec((_R, _D), lambda i: (i, 0))
    full = pl.BlockSpec((_D, _D), lambda i: (0, 0))
    vec = pl.BlockSpec((1, _D), lambda i: (0, 0))
    return pl.pallas_call(
        _mlp_body,
        grid=(_NBLK,),
        in_specs=[row, row, row, full, vec, full, vec, vec, vec],
        out_specs=row,
        out_shape=jax.ShapeDtypeStruct((_N, _D), _F32),
    )(x, a0, a1, w1, b1.reshape(1, _D), w2, b2.reshape(1, _D),
      g.reshape(1, _D), be.reshape(1, _D))


def _final_body(x_ref, a0_ref, a1_ref, w1_ref, b1_ref, w2_ref, b2_ref,
                batch_ref, wp1_ref, bp1_ref, wp2_ref, bp2_ref,
                o_ref, sums_s, cnt_s):
    i = pl.program_id(0)
    h = x_ref[...] + a0_ref[...] + a1_ref[...]
    h = jnp.maximum(lax.dot(h, w1_ref[...], precision=_HI) + b1_ref[...], 0.0)
    h = lax.dot(h, w2_ref[...], precision=_HI) + b2_ref[...]
    h = jnp.maximum(h, 0.0)

    bb = batch_ref[0]
    oh = (lax.broadcasted_iota(jnp.int32, (_G, _R), 0)
          == jnp.broadcast_to(bb, (_G, _R))).astype(_F32)
    ps = lax.dot(oh, h, precision=lax.Precision.HIGHEST)
    pc = jnp.broadcast_to(jnp.sum(oh, axis=1, keepdims=True), (_G, _D))

    @pl.when(i == 0)
    def _():
        sums_s[...] = ps
        cnt_s[...] = pc

    @pl.when(i > 0)
    def _():
        sums_s[...] += ps
        cnt_s[...] += pc

    @pl.when(i == _NBLK - 1)
    def _():
        pooled = sums_s[...] / jnp.maximum(cnt_s[...], 1.0)
        ph = jnp.maximum(lax.dot(pooled, wp1_ref[...], precision=_HI)
                         + bp1_ref[...], 0.0)
        o_ref[...] = lax.dot(ph, wp2_ref[...], precision=_HI) + bp2_ref[...]


def _tc_final(x, a0, a1, w1, b1, w2, b2, batch3d, wp1p, bp1p, wp2p, bp2p):
    row = pl.BlockSpec((_R, _D), lambda i: (i, 0))
    full = pl.BlockSpec((_D, _D), lambda i: (0, 0))
    vec = pl.BlockSpec((1, _D), lambda i: (0, 0))
    bspec = pl.BlockSpec((1, 1, _R), lambda i: (i, 0, 0))
    out = pl.pallas_call(
        _final_body,
        grid=(_NBLK,),
        in_specs=[row, row, row, full, vec, full, vec, bspec,
                  full, vec, full, vec],
        out_specs=pl.BlockSpec((_G, _D), lambda i: (0, 0)),
        out_shape=jax.ShapeDtypeStruct((_G, _D), _F32),
        scratch_shapes=[pltpu.VMEM((_G, _D), _F32), pltpu.VMEM((_G, _D), _F32)],
    )(x, a0, a1, w1, b1.reshape(1, _D), w2, b2.reshape(1, _D), batch3d,
      wp1p, bp1p, wp2p, bp2p)
    return out[:, :1]



def kernel(x, edge_index, batch,
           W1_0, b1_0, W2_0, b2_0,
           W1_1, b1_1, W2_1, b2_1,
           W1_2, b1_2, W2_2, b2_2,
           ln_g_0, ln_b_0, ln_g_1, ln_b_1,
           Wp1, bp1, Wp2, bp2):
    src2d = edge_index[0].reshape(_NW, _NCHUNK, _K)
    dst2d = edge_index[1].reshape(_NW, _NCHUNK, _K)
    batch3d = batch.reshape(_NBLK, 1, _R)

    wp1p = jnp.pad(Wp1, ((0, 0), (0, _D - _D // 2)))
    bp1p = jnp.pad(bp1, (0, _D - _D // 2)).reshape(1, _D)
    wp2p = jnp.pad(Wp2, ((0, _D - _D // 2), (0, _D - 1)))
    bp2p = jnp.broadcast_to(bp2, (_D,)).reshape(1, _D)

    a = _sc_agg(x, src2d, dst2d)
    x1 = _tc_mlp(x, a[0], a[1], W1_0, b1_0, W2_0, b2_0, ln_g_0, ln_b_0)
    a = _sc_agg(x1, src2d, dst2d)
    x2 = _tc_mlp(x1, a[0], a[1], W1_1, b1_1, W2_1, b2_1, ln_g_1, ln_b_1)
    a = _sc_agg(x2, src2d, dst2d)
    return _tc_final(x2, a[0], a[1], W1_2, b1_2, W2_2, b2_2, batch3d,
                     wp1p, bp1p, wp2p, bp2p)

# --- scband reference (transcript-rebuilt; emitter-appended) ---
"""Pipeline reference for scband-ginreg-18459769438675 (READ-ONLY COPY).

The authoritative reference and input builder live on the scoring server;
editing this copy changes nothing except your own understanding.
"""

import jax, jax.numpy as jnp
import numpy as np

N, E, D, H, L, G = 10000, 320000, 128, 128, 3, 64


def setup_inputs(seed: int = 0):
    key = jax.random.key(seed)
    ks = jax.random.split(key, 40)
    inp = {}
    inp["x"] = jax.random.normal(ks[0], (N, D), dtype=jnp.float32)
    inp["edge_index"] = jax.random.randint(ks[1], (2, E), 0, N, dtype=jnp.int32)
    inp["batch"] = jnp.sort(jax.random.randint(ks[2], (N,), 0, G, dtype=jnp.int32))
    k = 3
    for l in range(L):
        in_d = D if l == 0 else H
        inp[f"W1_{l}"] = jax.random.normal(ks[k], (in_d, H), dtype=jnp.float32) * 0.05; k += 1
        inp[f"b1_{l}"] = jnp.zeros((H,), jnp.float32)
        inp[f"W2_{l}"] = jax.random.normal(ks[k], (H, H), dtype=jnp.float32) * 0.05; k += 1
        inp[f"b2_{l}"] = jnp.zeros((H,), jnp.float32)
    for l in range(L - 1):
        inp[f"ln_g_{l}"] = jnp.ones((H,), jnp.float32)
        inp[f"ln_b_{l}"] = jnp.zeros((H,), jnp.float32)
    inp["Wp1"] = jax.random.normal(ks[k], (H, H // 2), dtype=jnp.float32) * 0.05; k += 1
    inp["bp1"] = jnp.zeros((H // 2,), jnp.float32)
    inp["Wp2"] = jax.random.normal(ks[k], (H // 2, 1), dtype=jnp.float32) * 0.05; k += 1
    inp["bp2"] = jnp.zeros((1,), jnp.float32)
    return inp


def _layernorm(h, g, b):
    mu = jnp.mean(h, axis=-1, keepdims=True)
    var = jnp.mean((h - mu) ** 2, axis=-1, keepdims=True)
    return (h - mu) / jnp.sqrt(var + 1e-5) * g + b


def reference(x, edge_index, batch,
              W1_0, b1_0, W2_0, b2_0,
              W1_1, b1_1, W2_1, b2_1,
              W1_2, b1_2, W2_2, b2_2,
              ln_g_0, ln_b_0, ln_g_1, ln_b_1,
              Wp1, bp1, Wp2, bp2):
    inp = {
        "x": x, "edge_index": edge_index, "batch": batch,
        "W1_0": W1_0, "b1_0": b1_0, "W2_0": W2_0, "b2_0": b2_0,
        "W1_1": W1_1, "b1_1": b1_1, "W2_1": W2_1, "b2_1": b2_1,
        "W1_2": W1_2, "b1_2": b1_2, "W2_2": W2_2, "b2_2": b2_2,
        "ln_g_0": ln_g_0, "ln_b_0": ln_b_0, "ln_g_1": ln_g_1, "ln_b_1": ln_b_1,
        "Wp1": Wp1, "bp1": bp1, "Wp2": Wp2, "bp2": bp2,
    }
    x = inp["x"]
    edge_index = inp["edge_index"]
    batch = inp["batch"]
    src, dst = edge_index[0], edge_index[1]
    for l in range(L):
        # GINConv with eps=0: MLP((1+eps)*x + sum_{j->i} x_j)
        agg = jnp.zeros_like(x).at[dst].add(jnp.take(x, src, axis=0))
        h = x + agg
        h = jnp.maximum(h @ inp[f"W1_{l}"] + inp[f"b1_{l}"], 0.0)
        h = h @ inp[f"W2_{l}"] + inp[f"b2_{l}"]
        x = jnp.maximum(h, 0.0)  # ReLU; dropout is identity in eval
        if l != L - 1:
            x = _layernorm(x, inp[f"ln_g_{l}"], inp[f"ln_b_{l}"])
    sums = jax.ops.segment_sum(x, batch, num_segments=G)
    cnt = jax.ops.segment_sum(jnp.ones((N,), jnp.float32), batch, num_segments=G)
    pooled = sums / jnp.maximum(cnt, 1.0)[:, None]
    h = jnp.maximum(pooled @ inp["Wp1"] + inp["bp1"], 0.0)
    out = h @ inp["Wp2"] + inp["bp2"]
    return out

if __name__ == "__main__":
    import jax
    _d = setup_inputs()
    print(jax.jit(kernel)(*tuple(_d.values())))

</pallas_src>

<mosaic_0001>
#map = affine_map<(d0, d1) -> (0, 0)>
#map1 = affine_map<(d0, d1) -> (0, 0, 0)>
module attributes {stable_mosaic.version = 14 : i64} {
  func.func @agg_kernel(%arg0: i32, %arg1: i32, %arg2: memref<10000x128xf32, #tpu.memory_space<hbm>>, %arg3: memref<32x125x80xi32, #tpu.memory_space<hbm>>, %arg4: memref<32x125x80xi32, #tpu.memory_space<hbm>>, %arg5: memref<2x10000x128xf32, #tpu.memory_space<hbm>>, %arg6: memref<125x80xi32, #tpu.memory_space<vmem>>, %arg7: memref<125x80xi32, #tpu.memory_space<vmem>>, %arg8: memref<80x128xf32, #tpu.memory_space<vmem>>, %arg9: memref<10000x128xf32, #tpu.memory_space<vmem_shared>>, %arg10: memref<!tpu.dma_semaphore, #tpu.memory_space<semaphore_mem>>) attributes {dimension_semantics = [#tpu.dimension_semantics<core_parallel>, #tpu.dimension_semantics<subcore_parallel>], iteration_bounds = array<i64: 2, 16>, scalar_prefetch = 0 : i64, scratch_operands = 5 : i64, tpu.core_type = #tpu.core_type<sc_vector_subcore>, window_params = [{transform_indices = #map}, {transform_indices = #map1}, {transform_indices = #map1}, {transform_indices = #map1}]} {
    %mul3A = arith.constant 2 : i32
    %mul3A_0 = arith.muli %arg1, %mul3A : i32
    %add3A = arith.addi %mul3A_0, %arg0 : i32
    %scan3A = arith.constant 0 : i32
    %scan3A_1 = arith.constant 640 : i32
    %scan3A_2 = arith.addi %scan3A, %scan3A_1 : i32
    %scan3A_3 = arith.constant 1 : i32
    scf.for %scan3A_50 = %scan3A to %scan3A_2 step %scan3A_3  : i32 {
      %mul3A_51 = arith.constant 1 : i32
      %mul3A_52 = arith.muli %scan3A_50, %mul3A_51 : i32
      %add3A_53 = arith.constant 0 : i32
      %add3A_54 = arith.addi %add3A_53, %mul3A_52 : i32
      %jit3A_55 = arith.constant 8 : i32
      %div3A_56 = arith.divsi %add3A_54, %jit3A_55 : i32
      %sign3A = arith.constant 0 : i32
      %sign3A_57 = arith.cmpi sgt, %add3A_54, %sign3A : i32
      %sign3A_58 = arith.extui %sign3A_57 : i1 to i32
      %sign3A_59 = arith.constant 0 : i32
      %sign3A_60 = arith.cmpi slt, %add3A_54, %sign3A_59 : i32
      %sign3A_61 = arith.extui %sign3A_60 : i1 to i32
      %sign3A_62 = arith.subi %sign3A_58, %sign3A_61 : i32
      %sign3A_63 = arith.constant 0 : i32
      %sign3A_64 = arith.cmpi sgt, %jit3A_55, %sign3A_63 : i32
      %sign3A_65 = arith.extui %sign3A_64 : i1 to i32
      %sign3A_66 = arith.constant 0 : i32
      %sign3A_67 = arith.cmpi slt, %jit3A_55, %sign3A_66 : i32
      %sign3A_68 = arith.extui %sign3A_67 : i1 to i32
      %sign3A_69 = arith.subi %sign3A_65, %sign3A_68 : i32
      %ne3A = arith.cmpi ne, %sign3A_62, %sign3A_69 : i32
      %rem3A = arith.remsi %add3A_54, %jit3A_55 : i32
      %ne3A_70 = arith.constant 0 : i32
      %ne3A_71 = arith.cmpi ne, %rem3A, %ne3A_70 : i32
      %and3A = arith.andi %ne3A, %ne3A_71 : i1
      %sub3A_72 = arith.constant 1 : i32
      %sub3A_73 = arith.subi %div3A_56, %sub3A_72 : i32
      %select_n3A_74 = arith.select %and3A, %sub3A_73, %div3A_56 : i32
      %jit3A_75 = arith.constant 8 : i32
      %eq3A_76 = arith.constant 0 : i32
      %eq3A_77 = arith.cmpi eq, %jit3A_75, %eq3A_76 : i32
      %jit3A_78 = arith.constant 1 : i32
      %select_n3A_79 = arith.select %eq3A_77, %jit3A_78, %jit3A_75 : i32
      %rem3A_80 = arith.remsi %add3A_54, %select_n3A_79 : i32
      %ne3A_81 = arith.constant 0 : i32
      %ne3A_82 = arith.cmpi ne, %rem3A_80, %ne3A_81 : i32
      %lt3A = arith.constant 0 : i32
      %lt3A_83 = arith.cmpi slt, %rem3A_80, %lt3A : i32
      %lt3A_84 = arith.constant 0 : i32
      %lt3A_85 = arith.cmpi slt, %select_n3A_79, %lt3A_84 : i32
      %ne3A_86 = arith.xori %lt3A_83, %lt3A_85 : i1
      %and3A_87 = arith.andi %ne3A_86, %ne3A_82 : i1
      %add3A_88 = arith.addi %rem3A_80, %select_n3A_79 : i32
      %select_n3A_89 = arith.select %and3A_87, %add3A_88, %rem3A_80 : i32
      %mul3A_90 = arith.constant 16 : i32
      %mul3A_91 = arith.muli %select_n3A_89, %mul3A_90 : i32
      %broadcast_in_dim3A = arith.constant 0.000000e+00 : f32
      %broadcast_in_dim3A_92 = vector.broadcast %broadcast_in_dim3A : f32 to vector<16xf32>
      %swap3A = arith.index_cast %select_n3A_74 : i32 to index
      %swap3A_93 = arith.index_cast %mul3A_91 : i32 to index
      %swap3A_94 = tpu.vector_load %arg8[%swap3A, %swap3A_93] {strides = array<i32>} : memref<80x128xf32, #tpu.memory_space<vmem>>, vector<1x16xf32>,
      %swap3A_95 = vector.shape_cast %swap3A_94 : vector<1x16xf32> to vector<16xf32>
      %swap3A_96 = vector.shape_cast %broadcast_in_dim3A_92 : vector<16xf32> to vector<1x16xf32>
      tpu.vector_store %arg8[%swap3A, %swap3A_93], %swap3A_96 {strides = array<i32>} : memref<80x128xf32, #tpu.memory_space<vmem>>, vector<1x16xf32>,
    }
    %scan3A_4 = arith.constant 640 : i32
    %mul3A_5 = arith.constant 640 : i32
    %mul3A_6 = arith.muli %arg1, %mul3A_5 : i32
    %eq3A = arith.constant 15 : i32
    %eq3A_7 = arith.cmpi eq, %arg1, %eq3A : i32
    %jit3A = arith.constant 5 : i32
    %jit3A_8 = arith.constant 8 : i32
    %select_n3A = arith.select %eq3A_7, %jit3A, %jit3A_8 : i32
    %sub3A = arith.constant 0 : i32
    %sub3A_9 = arith.subi %select_n3A, %sub3A : i32
    %sub3A_10 = arith.constant 1 : i32
    %sub3A_11 = arith.constant 1 : i32
    %sub3A_12 = arith.subi %sub3A_10, %sub3A_11 : i32
    %add3A_13 = arith.addi %sub3A_9, %sub3A_12 : i32
    %div3A = arith.constant 1 : i32
    %div3A_14 = arith.divsi %add3A_13, %div3A : i32
    %while3A = arith.constant 1 : i32
    %while3A_15 = arith.constant 0 : i32
    %while3A_16 = arith.constant 0 : i32
    %while3A_17 = arith.subi %div3A_14, %while3A_16 : i32
    %while3A_18 = arith.addi %while3A_16, %while3A_17 : i32
    %while3A_19 = arith.constant 1 : i32
    %while3A_20 = arith.divsi %while3A_17, %while3A_19 : i32
    %while3A_21 = arith.muli %while3A_20, %while3A_19 : i32
    %while3A_22 = arith.addi %while3A_16, %while3A_21 : i32
    %while3A_23 = arith.constant 1 : i32
    scf.for %while3A_50 = %while3A_16 to %while3A_22 step %while3A_23  : i32 {
      %mul3A_51 = arith.muli %while3A_50, %while3A : i32
      %add3A_52 = arith.addi %while3A_15, %mul3A_51 : i32
      %mul3A_53 = arith.constant 80 : i32
      %mul3A_54 = arith.muli %add3A_52, %mul3A_53 : i32
      %add3A_55 = arith.addi %mul3A_6, %mul3A_54 : i32
      "tpu.region"() ({
        %run_scoped3A = tpu.sem_alloc : memref<!tpu.dma_semaphore, #tpu.memory_space<semaphore_mem>>
        %dma_start3A = arith.constant 0 : i32
        %dma_start3A_56 = tpu.memref_slice %arg9[%add3A_55, %dma_start3A] : memref<10000x128xf32, #tpu.memory_space<vmem_shared>> -> memref<80x128xf32, #tpu.memory_space<vmem_shared>>
        %dma_start3A_57 = arith.constant 0 : i32
        %dma_start3A_58 = tpu.memref_slice %arg9[%add3A_55, %dma_start3A_57] : memref<10000x128xf32, #tpu.memory_space<vmem_shared>> -> memref<80x128xf32, #tpu.memory_space<vmem_shared>>
        tpu.enqueue_dma source(%arg8 : memref<80x128xf32, #tpu.memory_space<vmem>>) target(%dma_start3A_58 : memref<80x128xf32, #tpu.memory_space<vmem_shared>>) target_semaphore(%run_scoped3A : memref<!tpu.dma_semaphore, #tpu.memory_space<semaphore_mem>>)
        %dma_wait3A = arith.constant 0 : i32
        %dma_wait3A_59 = tpu.memref_slice %arg9[%add3A_55, %dma_wait3A] : memref<10000x128xf32, #tpu.memory_space<vmem_shared>> -> memref<80x128xf32, #tpu.memory_space<vmem_shared>>
        %dma_wait3A_60 = arith.constant 0 : i32
        %dma_wait3A_61 = tpu.memref_slice %arg9[%add3A_55, %dma_wait3A_60] : memref<10000x128xf32, #tpu.memory_space<vmem_shared>> -> memref<80x128xf32, #tpu.memory_space<vmem_shared>>
        tpu.wait_dma2 semaphore(%run_scoped3A : memref<!tpu.dma_semaphore, #tpu.memory_space<semaphore_mem>>) src(%arg8 : memref<80x128xf32, #tpu.memory_space<vmem>>) dst(%dma_wait3A_61 : memref<80x128xf32, #tpu.memory_space<vmem_shared>>)
        tpu.yield
      }) : () -> ()
    }
    %while3A_24 = arith.constant 1 : i32
    scf.for %while3A_50 = %while3A_22 to %while3A_18 step %while3A_24  : i32 {
      %mul3A_51 = arith.muli %while3A_50, %while3A : i32
      %add3A_52 = arith.addi %while3A_15, %mul3A_51 : i32
      %mul3A_53 = arith.constant 80 : i32
      %mul3A_54 = arith.muli %add3A_52, %mul3A_53 : i32
      %add3A_55 = arith.addi %mul3A_6, %mul3A_54 : i32
      "tpu.region"() ({
        %run_scoped3A = tpu.sem_alloc : memref<!tpu.dma_semaphore, #tpu.memory_space<semaphore_mem>>
        %dma_start3A = arith.constant 0 : i32
        %dma_start3A_56 = tpu.memref_slice %arg9[%add3A_55, %dma_start3A] : memref<10000x128xf32, #tpu.memory_space<vmem_shared>> -> memref<80x128xf32, #tpu.memory_space<vmem_shared>>
        %dma_start3A_57 = arith.constant 0 : i32
        %dma_start3A_58 = tpu.memref_slice %arg9[%add3A_55, %dma_start3A_57] : memref<10000x128xf32, #tpu.memory_space<vmem_shared>> -> memref<80x128xf32, #tpu.memory_space<vmem_shared>>
        tpu.enqueue_dma source(%arg8 : memref<80x128xf32, #tpu.memory_space<vmem>>) target(%dma_start3A_58 : memref<80x128xf32, #tpu.memory_space<vmem_shared>>) target_semaphore(%run_scoped3A : memref<!tpu.dma_semaphore, #tpu.memory_space<semaphore_mem>>)
        %dma_wait3A = arith.constant 0 : i32
        %dma_wait3A_59 = tpu.memref_slice %arg9[%add3A_55, %dma_wait3A] : memref<10000x128xf32, #tpu.memory_space<vmem_shared>> -> memref<80x128xf32, #tpu.memory_space<vmem_shared>>
        %dma_wait3A_60 = arith.constant 0 : i32
        %dma_wait3A_61 = tpu.memref_slice %arg9[%add3A_55, %dma_wait3A_60] : memref<10000x128xf32, #tpu.memory_space<vmem_shared>> -> memref<80x128xf32, #tpu.memory_space<vmem_shared>>
        tpu.wait_dma2 semaphore(%run_scoped3A : memref<!tpu.dma_semaphore, #tpu.memory_space<semaphore_mem>>) src(%arg8 : memref<80x128xf32, #tpu.memory_space<vmem>>) dst(%dma_wait3A_61 : memref<80x128xf32, #tpu.memory_space<vmem_shared>>)
        tpu.yield
      }) : () -> ()
    }
    "tpu.region"() ({
      %run_scoped3A = tpu.sem_alloc : memref<!tpu.dma_semaphore, #tpu.memory_space<semaphore_mem>>
      %dma_start3A = arith.constant 0 : i32
      %dma_start3A_50 = arith.constant 0 : i32
      %dma_start3A_51 = tpu.memref_slice %arg3[%add3A, %dma_start3A, %dma_start3A_50] : memref<32x125x80xi32, #tpu.memory_space<hbm>> -> memref<1x125x80xi32, #tpu.memory_space<hbm>>
      %dma_start3A_52 = tpu.memref_squeeze %dma_start3A_51 : memref<1x125x80xi32, #tpu.memory_space<hbm>> -> memref<125x80xi32, #tpu.memory_space<hbm>>
      %dma_start3A_53 = arith.constant 0 : i32
      %dma_start3A_54 = arith.constant 0 : i32
      %dma_start3A_55 = tpu.memref_slice %arg3[%add3A, %dma_start3A_53, %dma_start3A_54] : memref<32x125x80xi32, #tpu.memory_space<hbm>> -> memref<1x125x80xi32, #tpu.memory_space<hbm>>
      %dma_start3A_56 = tpu.memref_squeeze %dma_start3A_55 : memref<1x125x80xi32, #tpu.memory_space<hbm>> -> memref<125x80xi32, #tpu.memory_space<hbm>>
      tpu.enqueue_dma source(%dma_start3A_56 : memref<125x80xi32, #tpu.memory_space<hbm>>) target(%arg6 : memref<125x80xi32, #tpu.memory_space<vmem>>) target_semaphore(%run_scoped3A : memref<!tpu.dma_semaphore, #tpu.memory_space<semaphore_mem>>)
      %dma_wait3A = arith.constant 0 : i32
      %dma_wait3A_57 = arith.constant 0 : i32
      %dma_wait3A_58 = tpu.memref_slice %arg3[%add3A, %dma_wait3A, %dma_wait3A_57] : memref<32x125x80xi32, #tpu.memory_space<hbm>> -> memref<1x125x80xi32, #tpu.memory_space<hbm>>
      %dma_wait3A_59 = tpu.memref_squeeze %dma_wait3A_58 : memref<1x125x80xi32, #tpu.memory_space<hbm>> -> memref<125x80xi32, #tpu.memory_space<hbm>>
      %dma_wait3A_60 = arith.constant 0 : i32
      %dma_wait3A_61 = arith.constant 0 : i32
      %dma_wait3A_62 = tpu.memref_slice %arg3[%add3A, %dma_wait3A_60, %dma_wait3A_61] : memref<32x125x80xi32, #tpu.memory_space<hbm>> -> memref<1x125x80xi32, #tpu.memory_space<hbm>>
      %dma_wait3A_63 = tpu.memref_squeeze %dma_wait3A_62 : memref<1x125x80xi32, #tpu.memory_space<hbm>> -> memref<125x80xi32, #tpu.memory_space<hbm>>
      tpu.wait_dma2 semaphore(%run_scoped3A : memref<!tpu.dma_semaphore, #tpu.memory_space<semaphore_mem>>) src(%dma_wait3A_63 : memref<125x80xi32, #tpu.memory_space<hbm>>) dst(%arg6 : memref<125x80xi32, #tpu.memory_space<vmem>>)
      tpu.yield
    }) : () -> ()
    "tpu.region"() ({
      %run_scoped3A = tpu.sem_alloc : memref<!tpu.dma_semaphore, #tpu.memory_space<semaphore_mem>>
      %dma_start3A = arith.constant 0 : i32
      %dma_start3A_50 = arith.constant 0 : i32
      %dma_start3A_51 = tpu.memref_slice %arg4[%add3A, %dma_start3A, %dma_start3A_50] : memref<32x125x80xi32, #tpu.memory_space<hbm>> -> memref<1x125x80xi32, #tpu.memory_space<hbm>>
      %dma_start3A_52 = tpu.memref_squeeze %dma_start3A_51 : memref<1x125x80xi32, #tpu.memory_space<hbm>> -> memref<125x80xi32, #tpu.memory_space<hbm>>
      %dma_start3A_53 = arith.constant 0 : i32
      %dma_start3A_54 = arith.constant 0 : i32
      %dma_start3A_55 = tpu.memref_slice %arg4[%add3A, %dma_start3A_53, %dma_start3A_54] : memref<32x125x80xi32, #tpu.memory_space<hbm>> -> memref<1x125x80xi32, #tpu.memory_space<hbm>>
      %dma_start3A_56 = tpu.memref_squeeze %dma_start3A_55 : memref<1x125x80xi32, #tpu.memory_space<hbm>> -> memref<125x80xi32, #tpu.memory_space<hbm>>
      tpu.enqueue_dma source(%dma_start3A_56 : memref<125x80xi32, #tpu.memory_space<hbm>>) target(%arg7 : memref<125x80xi32, #tpu.memory_space<vmem>>) target_semaphore(%run_scoped3A : memref<!tpu.dma_semaphore, #tpu.memory_space<semaphore_mem>>)
      %dma_wait3A = arith.constant 0 : i32
      %dma_wait3A_57 = arith.constant 0 : i32
      %dma_wait3A_58 = tpu.memref_slice %arg4[%add3A, %dma_wait3A, %dma_wait3A_57] : memref<32x125x80xi32, #tpu.memory_space<hbm>> -> memref<1x125x80xi32, #tpu.memory_space<hbm>>
      %dma_wait3A_59 = tpu.memref_squeeze %dma_wait3A_58 : memref<1x125x80xi32, #tpu.memory_space<hbm>> -> memref<125x80xi32, #tpu.memory_space<hbm>>
      %dma_wait3A_60 = arith.constant 0 : i32
      %dma_wait3A_61 = arith.constant 0 : i32
      %dma_wait3A_62 = tpu.memref_slice %arg4[%add3A, %dma_wait3A_60, %dma_wait3A_61] : memref<32x125x80xi32, #tpu.memory_space<hbm>> -> memref<1x125x80xi32, #tpu.memory_space<hbm>>
      %dma_wait3A_63 = tpu.memref_squeeze %dma_wait3A_62 : memref<1x125x80xi32, #tpu.memory_space<hbm>> -> memref<125x80xi32, #tpu.memory_space<hbm>>
      tpu.wait_dma2 semaphore(%run_scoped3A : memref<!tpu.dma_semaphore, #tpu.memory_space<semaphore_mem>>) src(%dma_wait3A_63 : memref<125x80xi32, #tpu.memory_space<hbm>>) dst(%arg7 : memref<125x80xi32, #tpu.memory_space<vmem>>)
      tpu.yield
    }) : () -> ()
    %barrier3A = arith.constant 0 : index
    tpu.barrier barrier_id(%barrier3A)
    %scan3A_25 = arith.constant 0 : i32
    %scan3A_26 = arith.constant 125 : i32
    %scan3A_27 = arith.addi %scan3A_25, %scan3A_26 : i32
    %scan3A_28 = arith.constant 1 : i32
    scf.for %scan3A_50 = %scan3A_25 to %scan3A_27 step %scan3A_28  : i32 {
      %mul3A_51 = arith.constant 1 : i32
      %mul3A_52 = arith.muli %scan3A_50, %mul3A_51 : i32
      %add3A_53 = arith.constant 0 : i32
      %add3A_54 = arith.addi %add3A_53, %mul3A_52 : i32
      %dma_start3A = arith.constant 0 : i32
      %dma_start3A_55 = tpu.memref_slice %arg6[%add3A_54, %dma_start3A] : memref<125x80xi32, #tpu.memory_space<vmem>> -> memref<1x80xi32, #tpu.memory_space<vmem>>
      %dma_start3A_56 = tpu.memref_squeeze %dma_start3A_55 : memref<1x80xi32, #tpu.memory_space<vmem>> -> memref<80xi32, #tpu.memory_space<vmem>>
      %dma_start3A_57 = arith.constant 0 : i32
      %dma_start3A_58 = arith.constant 0 : i32
      %dma_start3A_59 = tpu.memref_slice %arg2[%dma_start3A_57, %dma_start3A_58] : memref<10000x128xf32, #tpu.memory_space<hbm>> -> memref<10000x128xf32, #tpu.memory_space<hbm>>
      tpu.enqueue_indirect_dma source(%dma_start3A_59 : memref<10000x128xf32, #tpu.memory_space<hbm>>) target(%arg8 : memref<80x128xf32, #tpu.memory_space<vmem>>) offsets(%dma_start3A_56 : memref<80xi32, #tpu.memory_space<vmem>>) semaphore(%arg10 : memref<!tpu.dma_semaphore, #tpu.memory_space<semaphore_mem>>)
      %dma_wait3A = arith.constant 0 : i32
      %dma_wait3A_60 = tpu.memref_slice %arg6[%add3A_54, %dma_wait3A] : memref<125x80xi32, #tpu.memory_space<vmem>> -> memref<1x80xi32, #tpu.memory_space<vmem>>
      %dma_wait3A_61 = tpu.memref_squeeze %dma_wait3A_60 : memref<1x80xi32, #tpu.memory_space<vmem>> -> memref<80xi32, #tpu.memory_space<vmem>>
      %dma_wait3A_62 = arith.constant 0 : i32
      %dma_wait3A_63 = arith.constant 0 : i32
      %dma_wait3A_64 = tpu.memref_slice %arg2[%dma_wait3A_62, %dma_wait3A_63] : memref<10000x128xf32, #tpu.memory_space<hbm>> -> memref<10000x128xf32, #tpu.memory_space<hbm>>
      tpu.wait_indirect_dma semaphore(%arg10 : memref<!tpu.dma_semaphore, #tpu.memory_space<semaphore_mem>>) src(%dma_wait3A_64 : memref<10000x128xf32, #tpu.memory_space<hbm>>) dst(%arg8 : memref<80x128xf32, #tpu.memory_space<vmem>>)
      "tpu.region"() ({
        %run_scoped3A = tpu.sem_alloc : memref<!tpu.dma_semaphore, #tpu.memory_space<semaphore_mem>>
        %dma_start3A_65 = arith.constant 0 : i32
        %dma_start3A_66 = tpu.memref_slice %arg7[%add3A_54, %dma_start3A_65] : memref<125x80xi32, #tpu.memory_space<vmem>> -> memref<1x80xi32, #tpu.memory_space<vmem>>
        %dma_start3A_67 = tpu.memref_squeeze %dma_start3A_66 : memref<1x80xi32, #tpu.memory_space<vmem>> -> memref<80xi32, #tpu.memory_space<vmem>>
        %dma_start3A_68 = arith.constant 0 : i32
        %dma_start3A_69 = arith.constant 0 : i32
        %dma_start3A_70 = tpu.memref_slice %arg9[%dma_start3A_68, %dma_start3A_69] : memref<10000x128xf32, #tpu.memory_space<vmem_shared>> -> memref<10000x128xf32, #tpu.memory_space<vmem_shared>>
        tpu.enqueue_indirect_dma source(%arg8 : memref<80x128xf32, #tpu.memory_space<vmem>>) target(%dma_start3A_70 : memref<10000x128xf32, #tpu.memory_space<vmem_shared>>) offsets(%dma_start3A_67 : memref<80xi32, #tpu.memory_space<vmem>>) semaphore(%run_scoped3A : memref<!tpu.dma_semaphore, #tpu.memory_space<semaphore_mem>>) {add = true}
        %dma_wait3A_71 = arith.constant 0 : i32
        %dma_wait3A_72 = tpu.memref_slice %arg7[%add3A_54, %dma_wait3A_71] : memref<125x80xi32, #tpu.memory_space<vmem>> -> memref<1x80xi32, #tpu.memory_space<vmem>>
        %dma_wait3A_73 = tpu.memref_squeeze %dma_wait3A_72 : memref<1x80xi32, #tpu.memory_space<vmem>> -> memref<80xi32, #tpu.memory_space<vmem>>
        %dma_wait3A_74 = arith.constant 0 : i32
        %dma_wait3A_75 = arith.constant 0 : i32
        %dma_wait3A_76 = tpu.memref_slice %arg9[%dma_wait3A_74, %dma_wait3A_75] : memref<10000x128xf32, #tpu.memory_space<vmem_shared>> -> memref<10000x128xf32, #tpu.memory_space<vmem_shared>>
        tpu.wait_indirect_dma semaphore(%run_scoped3A : memref<!tpu.dma_semaphore, #tpu.memory_space<semaphore_mem>>) src(%arg8 : memref<80x128xf32, #tpu.memory_space<vmem>>) dst(%dma_wait3A_76 : memref<10000x128xf32, #tpu.memory_space<vmem_shared>>)
        tpu.yield
      }) : () -> ()
    }
    %scan3A_29 = arith.constant 125 : i32
    %barrier3A_30 = arith.constant 0 : index
    tpu.barrier barrier_id(%barrier3A_30)
    %sub3A_31 = arith.constant 0 : i32
    %sub3A_32 = arith.subi %select_n3A, %sub3A_31 : i32
    %sub3A_33 = arith.constant 1 : i32
    %sub3A_34 = arith.constant 1 : i32
    %sub3A_35 = arith.subi %sub3A_33, %sub3A_34 : i32
    %add3A_36 = arith.addi %sub3A_32, %sub3A_35 : i32
    %div3A_37 = arith.constant 1 : i32
    %div3A_38 = arith.divsi %add3A_36, %div3A_37 : i32
    %while3A_39 = arith.constant 1 : i32
    %while3A_40 = arith.constant 0 : i32
    %while3A_41 = arith.constant 0 : i32
    %while3A_42 = arith.subi %div3A_38, %while3A_41 : i32
    %while3A_43 = arith.addi %while3A_41, %while3A_42 : i32
    %while3A_44 = arith.constant 1 : i32
    %while3A_45 = arith.divsi %while3A_42, %while3A_44 : i32
    %while3A_46 = arith.muli %while3A_45, %while3A_44 : i32
    %while3A_47 = arith.addi %while3A_41, %while3A_46 : i32
    %while3A_48 = arith.constant 1 : i32
    scf.for %while3A_50 = %while3A_41 to %while3A_47 step %while3A_48  : i32 {
      %mul3A_51 = arith.muli %while3A_50, %while3A_39 : i32
      %add3A_52 = arith.addi %while3A_40, %mul3A_51 : i32
      %mul3A_53 = arith.constant 80 : i32
      %mul3A_54 = arith.muli %add3A_52, %mul3A_53 : i32
      %add3A_55 = arith.addi %mul3A_6, %mul3A_54 : i32
      %mul3A_56 = arith.constant 80 : i32
      %mul3A_57 = arith.muli %add3A_52, %mul3A_56 : i32
      %add3A_58 = arith.addi %mul3A_6, %mul3A_57 : i32
      "tpu.region"() ({
        %run_scoped3A = tpu.sem_alloc : memref<!tpu.dma_semaphore, #tpu.memory_space<semaphore_mem>>
        %dma_start3A = arith.constant 0 : i32
        %dma_start3A_59 = tpu.memref_slice %arg5[%arg0, %add3A_58, %dma_start3A] : memref<2x10000x128xf32, #tpu.memory_space<hbm>> -> memref<1x80x128xf32, #tpu.memory_space<hbm>>
        %dma_start3A_60 = tpu.memref_squeeze %dma_start3A_59 : memref<1x80x128xf32, #tpu.memory_space<hbm>> -> memref<80x128xf32, #tpu.memory_space<hbm>>
        %dma_start3A_61 = arith.constant 0 : i32
        %dma_start3A_62 = tpu.memref_slice %arg9[%add3A_55, %dma_start3A_61] : memref<10000x128xf32, #tpu.memory_space<vmem_shared>> -> memref<80x128xf32, #tpu.memory_space<vmem_shared>>
        tpu.enqueue_dma source(%dma_start3A_62 : memref<80x128xf32, #tpu.memory_space<vmem_shared>>) target(%dma_start3A_60 : memref<80x128xf32, #tpu.memory_space<hbm>>) target_semaphore(%run_scoped3A : memref<!tpu.dma_semaphore, #tpu.memory_space<semaphore_mem>>)
        %dma_wait3A = arith.constant 0 : i32
        %dma_wait3A_63 = tpu.memref_slice %arg5[%arg0, %add3A_58, %dma_wait3A] : memref<2x10000x128xf32, #tpu.memory_space<hbm>> -> memref<1x80x128xf32, #tpu.memory_space<hbm>>
        %dma_wait3A_64 = tpu.memref_squeeze %dma_wait3A_63 : memref<1x80x128xf32, #tpu.memory_space<hbm>> -> memref<80x128xf32, #tpu.memory_space<hbm>>
        %dma_wait3A_65 = arith.constant 0 : i32
        %dma_wait3A_66 = tpu.memref_slice %arg9[%add3A_55, %dma_wait3A_65] : memref<10000x128xf32, #tpu.memory_space<vmem_shared>> -> memref<80x128xf32, #tpu.memory_space<vmem_shared>>
        tpu.wait_dma2 semaphore(%run_scoped3A : memref<!tpu.dma_semaphore, #tpu.memory_space<semaphore_mem>>) src(%dma_wait3A_66 : memref<80x128xf32, #tpu.memory_space<vmem_shared>>) dst(%dma_wait3A_64 : memref<80x128xf32, #tpu.memory_space<hbm>>)
        tpu.yield
      }) : () -> ()
    }
    %while3A_49 = arith.constant 1 : i32
    scf.for %while3A_50 = %while3A_47 to %while3A_43 step %while3A_49  : i32 {
      %mul3A_51 = arith.muli %while3A_50, %while3A_39 : i32
      %add3A_52 = arith.addi %while3A_40, %mul3A_51 : i32
      %mul3A_53 = arith.constant 80 : i32
      %mul3A_54 = arith.muli %add3A_52, %mul3A_53 : i32
      %add3A_55 = arith.addi %mul3A_6, %mul3A_54 : i32
      %mul3A_56 = arith.constant 80 : i32
      %mul3A_57 = arith.muli %add3A_52, %mul3A_56 : i32
      %add3A_58 = arith.addi %mul3A_6, %mul3A_57 : i32
      "tpu.region"() ({
        %run_scoped3A = tpu.sem_alloc : memref<!tpu.dma_semaphore, #tpu.memory_space<semaphore_mem>>
        %dma_start3A = arith.constant 0 : i32
        %dma_start3A_59 = tpu.memref_slice %arg5[%arg0, %add3A_58, %dma_start3A] : memref<2x10000x128xf32, #tpu.memory_space<hbm>> -> memref<1x80x128xf32, #tpu.memory_space<hbm>>
        %dma_start3A_60 = tpu.memref_squeeze %dma_start3A_59 : memref<1x80x128xf32, #tpu.memory_space<hbm>> -> memref<80x128xf32, #tpu.memory_space<hbm>>
        %dma_start3A_61 = arith.constant 0 : i32
        %dma_start3A_62 = tpu.memref_slice %arg9[%add3A_55, %dma_start3A_61] : memref<10000x128xf32, #tpu.memory_space<vmem_shared>> -> memref<80x128xf32, #tpu.memory_space<vmem_shared>>
        tpu.enqueue_dma source(%dma_start3A_62 : memref<80x128xf32, #tpu.memory_space<vmem_shared>>) target(%dma_start3A_60 : memref<80x128xf32, #tpu.memory_space<hbm>>) target_semaphore(%run_scoped3A : memref<!tpu.dma_semaphore, #tpu.memory_space<semaphore_mem>>)
        %dma_wait3A = arith.constant 0 : i32
        %dma_wait3A_63 = tpu.memref_slice %arg5[%arg0, %add3A_58, %dma_wait3A] : memref<2x10000x128xf32, #tpu.memory_space<hbm>> -> memref<1x80x128xf32, #tpu.memory_space<hbm>>
        %dma_wait3A_64 = tpu.memref_squeeze %dma_wait3A_63 : memref<1x80x128xf32, #tpu.memory_space<hbm>> -> memref<80x128xf32, #tpu.memory_space<hbm>>
        %dma_wait3A_65 = arith.constant 0 : i32
        %dma_wait3A_66 = tpu.memref_slice %arg9[%add3A_55, %dma_wait3A_65] : memref<10000x128xf32, #tpu.memory_space<vmem_shared>> -> memref<80x128xf32, #tpu.memory_space<vmem_shared>>
        tpu.wait_dma2 semaphore(%run_scoped3A : memref<!tpu.dma_semaphore, #tpu.memory_space<semaphore_mem>>) src(%dma_wait3A_66 : memref<80x128xf32, #tpu.memory_space<vmem_shared>>) dst(%dma_wait3A_64 : memref<80x128xf32, #tpu.memory_space<hbm>>)
        tpu.yield
      }) : () -> ()
    }
    return
  }
}

#map = affine_map<(d0, d1) -> (0, 0)>
#map1 = affine_map<(d0, d1) -> (0, 0, 0)>
module attributes {stable_mosaic.version = 14 : i64} {
  func.func @agg_kernel(%arg0: i32, %arg1: i32, %arg2: memref<10000x128xf32, #tpu.memory_space<hbm>>, %arg3: memref<32x125x80xi32, #tpu.memory_space<hbm>>, %arg4: memref<32x125x80xi32, #tpu.memory_space<hbm>>, %arg5: memref<2x10000x128xf32, #tpu.memory_space<hbm>>, %arg6: memref<125x80xi32, #tpu.memory_space<vmem>>, %arg7: memref<125x80xi32, #tpu.memory_space<vmem>>, %arg8: memref<80x128xf32, #tpu.memory_space<vmem>>, %arg9: memref<10000x128xf32, #tpu.memory_space<vmem_shared>>, %arg10: memref<!tpu.dma_semaphore, #tpu.memory_space<semaphore_mem>>) attributes {dimension_semantics = [#tpu.dimension_semantics<core_parallel>, #tpu.dimension_semantics<subcore_parallel>], iteration_bounds = array<i64: 2, 16>, scalar_prefetch = 0 : i64, scratch_operands = 5 : i64, tpu.core_type = #tpu.core_type<sc_vector_subcore>, window_params = [{transform_indices = #map}, {transform_indices = #map1}, {transform_indices = #map1}, {transform_indices = #map1}]} {
    %mul3A = arith.constant 2 : i32
    %mul3A_0 = arith.muli %arg1, %mul3A : i32
    %add3A = arith.addi %mul3A_0, %arg0 : i32
    %scan3A = arith.constant 0 : i32
    %scan3A_1 = arith.constant 640 : i32
    %scan3A_2 = arith.addi %scan3A, %scan3A_1 : i32
    %scan3A_3 = arith.constant 1 : i32
    scf.for %scan3A_50 = %scan3A to %scan3A_2 step %scan3A_3  : i32 {
      %mul3A_51 = arith.constant 1 : i32
      %mul3A_52 = arith.muli %scan3A_50, %mul3A_51 : i32
      %add3A_53 = arith.constant 0 : i32
      %add3A_54 = arith.addi %add3A_53, %mul3A_52 : i32
      %jit3A_55 = arith.constant 8 : i32
      %div3A_56 = arith.divsi %add3A_54, %jit3A_55 : i32
      %sign3A = arith.constant 0 : i32
      %sign3A_57 = arith.cmpi sgt, %add3A_54, %sign3A : i32
      %sign3A_58 = arith.extui %sign3A_57 : i1 to i32
      %sign3A_59 = arith.constant 0 : i32
      %sign3A_60 = arith.cmpi slt, %add3A_54, %sign3A_59 : i32
      %sign3A_61 = arith.extui %sign3A_60 : i1 to i32
      %sign3A_62 = arith.subi %sign3A_58, %sign3A_61 : i32
      %sign3A_63 = arith.constant 0 : i32
      %sign3A_64 = arith.cmpi sgt, %jit3A_55, %sign3A_63 : i32
      %sign3A_65 = arith.extui %sign3A_64 : i1 to i32
      %sign3A_66 = arith.constant 0 : i32
      %sign3A_67 = arith.cmpi slt, %jit3A_55, %sign3A_66 : i32
      %sign3A_68 = arith.extui %sign3A_67 : i1 to i32
      %sign3A_69 = arith.subi %sign3A_65, %sign3A_68 : i32
      %ne3A = arith.cmpi ne, %sign3A_62, %sign3A_69 : i32
      %rem3A = arith.remsi %add3A_54, %jit3A_55 : i32
      %ne3A_70 = arith.constant 0 : i32
      %ne3A_71 = arith.cmpi ne, %rem3A, %ne3A_70 : i32
      %and3A = arith.andi %ne3A, %ne3A_71 : i1
      %sub3A_72 = arith.constant 1 : i32
      %sub3A_73 = arith.subi %div3A_56, %sub3A_72 : i32
      %select_n3A_74 = arith.select %and3A, %sub3A_73, %div3A_56 : i32
      %jit3A_75 = arith.constant 8 : i32
      %eq3A_76 = arith.constant 0 : i32
      %eq3A_77 = arith.cmpi eq, %jit3A_75, %eq3A_76 : i32
      %jit3A_78 = arith.constant 1 : i32
      %select_n3A_79 = arith.select %eq3A_77, %jit3A_78, %jit3A_75 : i32
      %rem3A_80 = arith.remsi %add3A_54, %select_n3A_79 : i32
      %ne3A_81 = arith.constant 0 : i32
      %ne3A_82 = arith.cmpi ne, %rem3A_80, %ne3A_81 : i32
      %lt3A = arith.constant 0 : i32
      %lt3A_83 = arith.cmpi slt, %rem3A_80, %lt3A : i32
      %lt3A_84 = arith.constant 0 : i32
      %lt3A_85 = arith.cmpi slt, %select_n3A_79, %lt3A_84 : i32
      %ne3A_86 = arith.xori %lt3A_83, %lt3A_85 : i1
      %and3A_87 = arith.andi %ne3A_86, %ne3A_82 : i1
      %add3A_88 = arith.addi %rem3A_80, %select_n3A_79 : i32
      %select_n3A_89 = arith.select %and3A_87, %add3A_88, %rem3A_80 : i32
      %mul3A_90 = arith.constant 16 : i32
      %mul3A_91 = arith.muli %select_n3A_89, %mul3A_90 : i32
      %broadcast_in_dim3A = arith.constant 0.000000e+00 : f32
      %broadcast_in_dim3A_92 = vector.broadcast %broadcast_in_dim3A : f32 to vector<16xf32>
      %swap3A = arith.index_cast %select_n3A_74 : i32 to index
      %swap3A_93 = arith.index_cast %mul3A_91 : i32 to index
      %swap3A_94 = tpu.vector_load %arg8[%swap3A, %swap3A_93] {strides = array<i32>} : memref<80x128xf32, #tpu.memory_space<vmem>>, vector<1x16xf32>,
      %swap3A_95 = vector.shape_cast %swap3A_94 : vector<1x16xf32> to vector<16xf32>
      %swap3A_96 = vector.shape_cast %broadcast_in_dim3A_92 : vector<16xf32> to vector<1x16xf32>
      tpu.vector_store %arg8[%swap3A, %swap3A_93], %swap3A_96 {strides = array<i32>} : memref<80x128xf32, #tpu.memory_space<vmem>>, vector<1x16xf32>,
    }
    %scan3A_4 = arith.constant 640 : i32
    %mul3A_5 = arith.constant 640 : i32
    %mul3A_6 = arith.muli %arg1, %mul3A_5 : i32
    %eq3A = arith.constant 15 : i32
    %eq3A_7 = arith.cmpi eq, %arg1, %eq3A : i32
    %jit3A = arith.constant 5 : i32
    %jit3A_8 = arith.constant 8 : i32
    %select_n3A = arith.select %eq3A_7, %jit3A, %jit3A_8 : i32
    %sub3A = arith.constant 0 : i32
    %sub3A_9 = arith.subi %select_n3A, %sub3A : i32
    %sub3A_10 = arith.constant 1 : i32
    %sub3A_11 = arith.constant 1 : i32
    %sub3A_12 = arith.subi %sub3A_10, %sub3A_11 : i32
    %add3A_13 = arith.addi %sub3A_9, %sub3A_12 : i32
    %div3A = arith.constant 1 : i32
    %div3A_14 = arith.divsi %add3A_13, %div3A : i32
    %while3A = arith.constant 1 : i32
    %while3A_15 = arith.constant 0 : i32
    %while3A_16 = arith.constant 0 : i32
    %while3A_17 = arith.subi %div3A_14, %while3A_16 : i32
    %while3A_18 = arith.addi %while3A_16, %while3A_17 : i32
    %while3A_19 = arith.constant 1 : i32
    %while3A_20 = arith.divsi %while3A_17, %while3A_19 : i32
    %while3A_21 = arith.muli %while3A_20, %while3A_19 : i32
    %while3A_22 = arith.addi %while3A_16, %while3A_21 : i32
    %while3A_23 = arith.constant 1 : i32
    scf.for %while3A_50 = %while3A_16 to %while3A_22 step %while3A_23  : i32 {
      %mul3A_51 = arith.muli %while3A_50, %while3A : i32
      %add3A_52 = arith.addi %while3A_15, %mul3A_51 : i32
      %mul3A_53 = arith.constant 80 : i32
      %mul3A_54 = arith.muli %add3A_52, %mul3A_53 : i32
      %add3A_55 = arith.addi %mul3A_6, %mul3A_54 : i32
      "tpu.region"() ({
        %run_scoped3A = tpu.sem_alloc : memref<!tpu.dma_semaphore, #tpu.memory_space<semaphore_mem>>
        %dma_start3A = arith.constant 0 : i32
        %dma_start3A_56 = tpu.memref_slice %arg9[%add3A_55, %dma_start3A] : memref<10000x128xf32, #tpu.memory_space<vmem_shared>> -> memref<80x128xf32, #tpu.memory_space<vmem_shared>>
        %dma_start3A_57 = arith.constant 0 : i32
        %dma_start3A_58 = tpu.memref_slice %arg9[%add3A_55, %dma_start3A_57] : memref<10000x128xf32, #tpu.memory_space<vmem_shared>> -> memref<80x128xf32, #tpu.memory_space<vmem_shared>>
        tpu.enqueue_dma source(%arg8 : memref<80x128xf32, #tpu.memory_space<vmem>>) target(%dma_start3A_58 : memref<80x128xf32, #tpu.memory_space<vmem_shared>>) target_semaphore(%run_scoped3A : memref<!tpu.dma_semaphore, #tpu.memory_space<semaphore_mem>>)
        %dma_wait3A = arith.constant 0 : i32
        %dma_wait3A_59 = tpu.memref_slice %arg9[%add3A_55, %dma_wait3A] : memref<10000x128xf32, #tpu.memory_space<vmem_shared>> -> memref<80x128xf32, #tpu.memory_space<vmem_shared>>
        %dma_wait3A_60 = arith.constant 0 : i32
        %dma_wait3A_61 = tpu.memref_slice %arg9[%add3A_55, %dma_wait3A_60] : memref<10000x128xf32, #tpu.memory_space<vmem_shared>> -> memref<80x128xf32, #tpu.memory_space<vmem_shared>>
        tpu.wait_dma2 semaphore(%run_scoped3A : memref<!tpu.dma_semaphore, #tpu.memory_space<semaphore_mem>>) src(%arg8 : memref<80x128xf32, #tpu.memory_space<vmem>>) dst(%dma_wait3A_61 : memref<80x128xf32, #tpu.memory_space<vmem_shared>>)
        tpu.yield
      }) : () -> ()
    }
    %while3A_24 = arith.constant 1 : i32
    scf.for %while3A_50 = %while3A_22 to %while3A_18 step %while3A_24  : i32 {
      %mul3A_51 = arith.muli %while3A_50, %while3A : i32
      %add3A_52 = arith.addi %while3A_15, %mul3A_51 : i32
      %mul3A_53 = arith.constant 80 : i32
      %mul3A_54 = arith.muli %add3A_52, %mul3A_53 : i32
      %add3A_55 = arith.addi %mul3A_6, %mul3A_54 : i32
      "tpu.region"() ({
        %run_scoped3A = tpu.sem_alloc : memref<!tpu.dma_semaphore, #tpu.memory_space<semaphore_mem>>
        %dma_start3A = arith.constant 0 : i32
        %dma_start3A_56 = tpu.memref_slice %arg9[%add3A_55, %dma_start3A] : memref<10000x128xf32, #tpu.memory_space<vmem_shared>> -> memref<80x128xf32, #tpu.memory_space<vmem_shared>>
        %dma_start3A_57 = arith.constant 0 : i32
        %dma_start3A_58 = tpu.memref_slice %arg9[%add3A_55, %dma_start3A_57] : memref<10000x128xf32, #tpu.memory_space<vmem_shared>> -> memref<80x128xf32, #tpu.memory_space<vmem_shared>>
        tpu.enqueue_dma source(%arg8 : memref<80x128xf32, #tpu.memory_space<vmem>>) target(%dma_start3A_58 : memref<80x128xf32, #tpu.memory_space<vmem_shared>>) target_semaphore(%run_scoped3A : memref<!tpu.dma_semaphore, #tpu.memory_space<semaphore_mem>>)
        %dma_wait3A = arith.constant 0 : i32
        %dma_wait3A_59 = tpu.memref_slice %arg9[%add3A_55, %dma_wait3A] : memref<10000x128xf32, #tpu.memory_space<vmem_shared>> -> memref<80x128xf32, #tpu.memory_space<vmem_shared>>
        %dma_wait3A_60 = arith.constant 0 : i32
        %dma_wait3A_61 = tpu.memref_slice %arg9[%add3A_55, %dma_wait3A_60] : memref<10000x128xf32, #tpu.memory_space<vmem_shared>> -> memref<80x128xf32, #tpu.memory_space<vmem_shared>>
        tpu.wait_dma2 semaphore(%run_scoped3A : memref<!tpu.dma_semaphore, #tpu.memory_space<semaphore_mem>>) src(%arg8 : memref<80x128xf32, #tpu.memory_space<vmem>>) dst(%dma_wait3A_61 : memref<80x128xf32, #tpu.memory_space<vmem_shared>>)
        tpu.yield
      }) : () -> ()
    }
    "tpu.region"() ({
      %run_scoped3A = tpu.sem_alloc : memref<!tpu.dma_semaphore, #tpu.memory_space<semaphore_mem>>
      %dma_start3A = arith.constant 0 : i32
      %dma_start3A_50 = arith.constant 0 : i32
      %dma_start3A_51 = tpu.memref_slice %arg3[%add3A, %dma_start3A, %dma_start3A_50] : memref<32x125x80xi32, #tpu.memory_space<hbm>> -> memref<1x125x80xi32, #tpu.memory_space<hbm>>
      %dma_start3A_52 = tpu.memref_squeeze %dma_start3A_51 : memref<1x125x80xi32, #tpu.memory_space<hbm>> -> memref<125x80xi32, #tpu.memory_space<hbm>>
      %dma_start3A_53 = arith.constant 0 : i32
      %dma_start3A_54 = arith.constant 0 : i32
      %dma_start3A_55 = tpu.memref_slice %arg3[%add3A, %dma_start3A_53, %dma_start3A_54] : memref<32x125x80xi32, #tpu.memory_space<hbm>> -> memref<1x125x80xi32, #tpu.memory_space<hbm>>
      %dma_start3A_56 = tpu.memref_squeeze %dma_start3A_55 : memref<1x125x80xi32, #tpu.memory_space<hbm>> -> memref<125x80xi32, #tpu.memory_space<hbm>>
      tpu.enqueue_dma source(%dma_start3A_56 : memref<125x80xi32, #tpu.memory_space<hbm>>) target(%arg6 : memref<125x80xi32, #tpu.memory_space<vmem>>) target_semaphore(%run_scoped3A : memref<!tpu.dma_semaphore, #tpu.memory_space<semaphore_mem>>)
      %dma_wait3A = arith.constant 0 : i32
      %dma_wait3A_57 = arith.constant 0 : i32
      %dma_wait3A_58 = tpu.memref_slice %arg3[%add3A, %dma_wait3A, %dma_wait3A_57] : memref<32x125x80xi32, #tpu.memory_space<hbm>> -> memref<1x125x80xi32, #tpu.memory_space<hbm>>
      %dma_wait3A_59 = tpu.memref_squeeze %dma_wait3A_58 : memref<1x125x80xi32, #tpu.memory_space<hbm>> -> memref<125x80xi32, #tpu.memory_space<hbm>>
      %dma_wait3A_60 = arith.constant 0 : i32
      %dma_wait3A_61 = arith.constant 0 : i32
      %dma_wait3A_62 = tpu.memref_slice %arg3[%add3A, %dma_wait3A_60, %dma_wait3A_61] : memref<32x125x80xi32, #tpu.memory_space<hbm>> -> memref<1x125x80xi32, #tpu.memory_space<hbm>>
      %dma_wait3A_63 = tpu.memref_squeeze %dma_wait3A_62 : memref<1x125x80xi32, #tpu.memory_space<hbm>> -> memref<125x80xi32, #tpu.memory_space<hbm>>
      tpu.wait_dma2 semaphore(%run_scoped3A : memref<!tpu.dma_semaphore, #tpu.memory_space<semaphore_mem>>) src(%dma_wait3A_63 : memref<125x80xi32, #tpu.memory_space<hbm>>) dst(%arg6 : memref<125x80xi32, #tpu.memory_space<vmem>>)
      tpu.yield
    }) : () -> ()
    "tpu.region"() ({
      %run_scoped3A = tpu.sem_alloc : memref<!tpu.dma_semaphore, #tpu.memory_space<semaphore_mem>>
      %dma_start3A = arith.constant 0 : i32
      %dma_start3A_50 = arith.constant 0 : i32
      %dma_start3A_51 = tpu.memref_slice %arg4[%add3A, %dma_start3A, %dma_start3A_50] : memref<32x125x80xi32, #tpu.memory_space<hbm>> -> memref<1x125x80xi32, #tpu.memory_space<hbm>>
      %dma_start3A_52 = tpu.memref_squeeze %dma_start3A_51 : memref<1x125x80xi32, #tpu.memory_space<hbm>> -> memref<125x80xi32, #tpu.memory_space<hbm>>
      %dma_start3A_53 = arith.constant 0 : i32
      %dma_start3A_54 = arith.constant 0 : i32
      %dma_start3A_55 = tpu.memref_slice %arg4[%add3A, %dma_start3A_53, %dma_start3A_54] : memref<32x125x80xi32, #tpu.memory_space<hbm>> -> memref<1x125x80xi32, #tpu.memory_space<hbm>>
      %dma_start3A_56 = tpu.memref_squeeze %dma_start3A_55 : memref<1x125x80xi32, #tpu.memory_space<hbm>> -> memref<125x80xi32, #tpu.memory_space<hbm>>
      tpu.enqueue_dma source(%dma_start3A_56 : memref<125x80xi32, #tpu.memory_space<hbm>>) target(%arg7 : memref<125x80xi32, #tpu.memory_space<vmem>>) target_semaphore(%run_scoped3A : memref<!tpu.dma_semaphore, #tpu.memory_space<semaphore_mem>>)
      %dma_wait3A = arith.constant 0 : i32
      %dma_wait3A_57 = arith.constant 0 : i32
      %dma_wait3A_58 = tpu.memref_slice %arg4[%add3A, %dma_wait3A, %dma_wait3A_57] : memref<32x125x80xi32, #tpu.memory_space<hbm>> -> memref<1x125x80xi32, #tpu.memory_space<hbm>>
      %dma_wait3A_59 = tpu.memref_squeeze %dma_wait3A_58 : memref<1x125x80xi32, #tpu.memory_space<hbm>> -> memref<125x80xi32, #tpu.memory_space<hbm>>
      %dma_wait3A_60 = arith.constant 0 : i32
      %dma_wait3A_61 = arith.constant 0 : i32
      %dma_wait3A_62 = tpu.memref_slice %arg4[%add3A, %dma_wait3A_60, %dma_wait3A_61] : memref<32x125x80xi32, #tpu.memory_space<hbm>> -> memref<1x125x80xi32, #tpu.memory_space<hbm>>
      %dma_wait3A_63 = tpu.memref_squeeze %dma_wait3A_62 : memref<1x125x80xi32, #tpu.memory_space<hbm>> -> memref<125x80xi32, #tpu.memory_space<hbm>>
      tpu.wait_dma2 semaphore(%run_scoped3A : memref<!tpu.dma_semaphore, #tpu.memory_space<semaphore_mem>>) src(%dma_wait3A_63 : memref<125x80xi32, #tpu.memory_space<hbm>>) dst(%arg7 : memref<125x80xi32, #tpu.memory_space<vmem>>)
      tpu.yield
    }) : () -> ()
    %barrier3A = arith.constant 0 : index
    tpu.barrier barrier_id(%barrier3A)
    %scan3A_25 = arith.constant 0 : i32
    %scan3A_26 = arith.constant 125 : i32
    %scan3A_27 = arith.addi %scan3A_25, %scan3A_26 : i32
    %scan3A_28 = arith.constant 1 : i32
    scf.for %scan3A_50 = %scan3A_25 to %scan3A_27 step %scan3A_28  : i32 {
      %mul3A_51 = arith.constant 1 : i32
      %mul3A_52 = arith.muli %scan3A_50, %mul3A_51 : i32
      %add3A_53 = arith.constant 0 : i32
      %add3A_54 = arith.addi %add3A_53, %mul3A_52 : i32
      %dma_start3A = arith.constant 0 : i32
      %dma_start3A_55 = tpu.memref_slice %arg6[%add3A_54, %dma_start3A] : memref<125x80xi32, #tpu.memory_space<vmem>> -> memref<1x80xi32, #tpu.memory_space<vmem>>
      %dma_start3A_56 = tpu.memref_squeeze %dma_start3A_55 : memref<1x80xi32, #tpu.memory_space<vmem>> -> memref<80xi32, #tpu.memory_space<vmem>>
      %dma_start3A_57 = arith.constant 0 : i32
      %dma_start3A_58 = arith.constant 0 : i32
      %dma_start3A_59 = tpu.memref_slice %arg2[%dma_start3A_57, %dma_start3A_58] : memref<10000x128xf32, #tpu.memory_space<hbm>> -> memref<10000x128xf32, #tpu.memory_space<hbm>>
      tpu.enqueue_indirect_dma source(%dma_start3A_59 : memref<10000x128xf32, #tpu.memory_space<hbm>>) target(%arg8 : memref<80x128xf32, #tpu.memory_space<vmem>>) offsets(%dma_start3A_56 : memref<80xi32, #tpu.memory_space<vmem>>) semaphore(%arg10 : memref<!tpu.dma_semaphore, #tpu.memory_space<semaphore_mem>>)
      %dma_wait3A = arith.constant 0 : i32
      %dma_wait3A_60 = tpu.memref_slice %arg6[%add3A_54, %dma_wait3A] : memref<125x80xi32, #tpu.memory_space<vmem>> -> memref<1x80xi32, #tpu.memory_space<vmem>>
      %dma_wait3A_61 = tpu.memref_squeeze %dma_wait3A_60 : memref<1x80xi32, #tpu.memory_space<vmem>> -> memref<80xi32, #tpu.memory_space<vmem>>
      %dma_wait3A_62 = arith.constant 0 : i32
      %dma_wait3A_63 = arith.constant 0 : i32
      %dma_wait3A_64 = tpu.memref_slice %arg2[%dma_wait3A_62, %dma_wait3A_63] : memref<10000x128xf32, #tpu.memory_space<hbm>> -> memref<10000x128xf32, #tpu.memory_space<hbm>>
      tpu.wait_indirect_dma semaphore(%arg10 : memref<!tpu.dma_semaphore, #tpu.memory_space<semaphore_mem>>) src(%dma_wait3A_64 : memref<10000x128xf32, #tpu.memory_space<hbm>>) dst(%arg8 : memref<80x128xf32, #tpu.memory_space<vmem>>)
      "tpu.region"() ({
        %run_scoped3A = tpu.sem_alloc : memref<!tpu.dma_semaphore, #tpu.memory_space<semaphore_mem>>
        %dma_start3A_65 = arith.constant 0 : i32
        %dma_start3A_66 = tpu.memref_slice %arg7[%add3A_54, %dma_start3A_65] : memref<125x80xi32, #tpu.memory_space<vmem>> -> memref<1x80xi32, #tpu.memory_space<vmem>>
        %dma_start3A_67 = tpu.memref_squeeze %dma_start3A_66 : memref<1x80xi32, #tpu.memory_space<vmem>> -> memref<80xi32, #tpu.memory_space<vmem>>
        %dma_start3A_68 = arith.constant 0 : i32
        %dma_start3A_69 = arith.constant 0 : i32
        %dma_start3A_70 = tpu.memref_slice %arg9[%dma_start3A_68, %dma_start3A_69] : memref<10000x128xf32, #tpu.memory_space<vmem_shared>> -> memref<10000x128xf32, #tpu.memory_space<vmem_shared>>
        tpu.enqueue_indirect_dma source(%arg8 : memref<80x128xf32, #tpu.memory_space<vmem>>) target(%dma_start3A_70 : memref<10000x128xf32, #tpu.memory_space<vmem_shared>>) offsets(%dma_start3A_67 : memref<80xi32, #tpu.memory_space<vmem>>) semaphore(%run_scoped3A : memref<!tpu.dma_semaphore, #tpu.memory_space<semaphore_mem>>) {add = true}
        %dma_wait3A_71 = arith.constant 0 : i32
        %dma_wait3A_72 = tpu.memref_slice %arg7[%add3A_54, %dma_wait3A_71] : memref<125x80xi32, #tpu.memory_space<vmem>> -> memref<1x80xi32, #tpu.memory_space<vmem>>
        %dma_wait3A_73 = tpu.memref_squeeze %dma_wait3A_72 : memref<1x80xi32, #tpu.memory_space<vmem>> -> memref<80xi32, #tpu.memory_space<vmem>>
        %dma_wait3A_74 = arith.constant 0 : i32
        %dma_wait3A_75 = arith.constant 0 : i32
        %dma_wait3A_76 = tpu.memref_slice %arg9[%dma_wait3A_74, %dma_wait3A_75] : memref<10000x128xf32, #tpu.memory_space<vmem_shared>> -> memref<10000x128xf32, #tpu.memory_space<vmem_shared>>
        tpu.wait_indirect_dma semaphore(%run_scoped3A : memref<!tpu.dma_semaphore, #tpu.memory_space<semaphore_mem>>) src(%arg8 : memref<80x128xf32, #tpu.memory_space<vmem>>) dst(%dma_wait3A_76 : memref<10000x128xf32, #tpu.memory_space<vmem_shared>>)
        tpu.yield
      }) : () -> ()
    }
    %scan3A_29 = arith.constant 125 : i32
    %barrier3A_30 = arith.constant 0 : index
    tpu.barrier barrier_id(%barrier3A_30)
    %sub3A_31 = arith.constant 0 : i32
    %sub3A_32 = arith.subi %select_n3A, %sub3A_31 : i32
    %sub3A_33 = arith.constant 1 : i32
    %sub3A_34 = arith.constant 1 : i32
    %sub3A_35 = arith.subi %sub3A_33, %sub3A_34 : i32
    %add3A_36 = arith.addi %sub3A_32, %sub3A_35 : i32
    %div3A_37 = arith.constant 1 : i32
    %div3A_38 = arith.divsi %add3A_36, %div3A_37 : i32
    %while3A_39 = arith.constant 1 : i32
    %while3A_40 = arith.constant 0 : i32
    %while3A_41 = arith.constant 0 : i32
    %while3A_42 = arith.subi %div3A_38, %while3A_41 : i32
    %while3A_43 = arith.addi %while3A_41, %while3A_42 : i32
    %while3A_44 = arith.constant 1 : i32
    %while3A_45 = arith.divsi %while3A_42, %while3A_44 : i32
    %while3A_46 = arith.muli %while3A_45, %while3A_44 : i32
    %while3A_47 = arith.addi %while3A_41, %while3A_46 : i32
    %while3A_48 = arith.constant 1 : i32
    scf.for %while3A_50 = %while3A_41 to %while3A_47 step %while3A_48  : i32 {
      %mul3A_51 = arith.muli %while3A_50, %while3A_39 : i32
      %add3A_52 = arith.addi %while3A_40, %mul3A_51 : i32
      %mul3A_53 = arith.constant 80 : i32
      %mul3A_54 = arith.muli %add3A_52, %mul3A_53 : i32
      %add3A_55 = arith.addi %mul3A_6, %mul3A_54 : i32
      %mul3A_56 = arith.constant 80 : i32
      %mul3A_57 = arith.muli %add3A_52, %mul3A_56 : i32
      %add3A_58 = arith.addi %mul3A_6, %mul3A_57 : i32
      "tpu.region"() ({
        %run_scoped3A = tpu.sem_alloc : memref<!tpu.dma_semaphore, #tpu.memory_space<semaphore_mem>>
        %dma_start3A = arith.constant 0 : i32
        %dma_start3A_59 = tpu.memref_slice %arg5[%arg0, %add3A_58, %dma_start3A] : memref<2x10000x128xf32, #tpu.memory_space<hbm>> -> memref<1x80x128xf32, #tpu.memory_space<hbm>>
        %dma_start3A_60 = tpu.memref_squeeze %dma_start3A_59 : memref<1x80x128xf32, #tpu.memory_space<hbm>> -> memref<80x128xf32, #tpu.memory_space<hbm>>
        %dma_start3A_61 = arith.constant 0 : i32
        %dma_start3A_62 = tpu.memref_slice %arg9[%add3A_55, %dma_start3A_61] : memref<10000x128xf32, #tpu.memory_space<vmem_shared>> -> memref<80x128xf32, #tpu.memory_space<vmem_shared>>
        tpu.enqueue_dma source(%dma_start3A_62 : memref<80x128xf32, #tpu.memory_space<vmem_shared>>) target(%dma_start3A_60 : memref<80x128xf32, #tpu.memory_space<hbm>>) target_semaphore(%run_scoped3A : memref<!tpu.dma_semaphore, #tpu.memory_space<semaphore_mem>>)
        %dma_wait3A = arith.constant 0 : i32
        %dma_wait3A_63 = tpu.memref_slice %arg5[%arg0, %add3A_58, %dma_wait3A] : memref<2x10000x128xf32, #tpu.memory_space<hbm>> -> memref<1x80x128xf32, #tpu.memory_space<hbm>>
        %dma_wait3A_64 = tpu.memref_squeeze %dma_wait3A_63 : memref<1x80x128xf32, #tpu.memory_space<hbm>> -> memref<80x128xf32, #tpu.memory_space<hbm>>
        %dma_wait3A_65 = arith.constant 0 : i32
        %dma_wait3A_66 = tpu.memref_slice %arg9[%add3A_55, %dma_wait3A_65] : memref<10000x128xf32, #tpu.memory_space<vmem_shared>> -> memref<80x128xf32, #tpu.memory_space<vmem_shared>>
        tpu.wait_dma2 semaphore(%run_scoped3A : memref<!tpu.dma_semaphore, #tpu.memory_space<semaphore_mem>>) src(%dma_wait3A_66 : memref<80x128xf32, #tpu.memory_space<vmem_shared>>) dst(%dma_wait3A_64 : memref<80x128xf32, #tpu.memory_space<hbm>>)
        tpu.yield
      }) : () -> ()
    }
    %while3A_49 = arith.constant 1 : i32
    scf.for %while3A_50 = %while3A_47 to %while3A_43 step %while3A_49  : i32 {
      %mul3A_51 = arith.muli %while3A_50, %while3A_39 : i32
      %add3A_52 = arith.addi %while3A_40, %mul3A_51 : i32
      %mul3A_53 = arith.constant 80 : i32
      %mul3A_54 = arith.muli %add3A_52, %mul3A_53 : i32
      %add3A_55 = arith.addi %mul3A_6, %mul3A_54 : i32
      %mul3A_56 = arith.constant 80 : i32
      %mul3A_57 = arith.muli %add3A_52, %mul3A_56 : i32
      %add3A_58 = arith.addi %mul3A_6, %mul3A_57 : i32
      "tpu.region"() ({
        %run_scoped3A = tpu.sem_alloc : memref<!tpu.dma_semaphore, #tpu.memory_space<semaphore_mem>>
        %dma_start3A = arith.constant 0 : i32
        %dma_start3A_59 = tpu.memref_slice %arg5[%arg0, %add3A_58, %dma_start3A] : memref<2x10000x128xf32, #tpu.memory_space<hbm>> -> memref<1x80x128xf32, #tpu.memory_space<hbm>>
        %dma_start3A_60 = tpu.memref_squeeze %dma_start3A_59 : memref<1x80x128xf32, #tpu.memory_space<hbm>> -> memref<80x128xf32, #tpu.memory_space<hbm>>
        %dma_start3A_61 = arith.constant 0 : i32
        %dma_start3A_62 = tpu.memref_slice %arg9[%add3A_55, %dma_start3A_61] : memref<10000x128xf32, #tpu.memory_space<vmem_shared>> -> memref<80x128xf32, #tpu.memory_space<vmem_shared>>
        tpu.enqueue_dma source(%dma_start3A_62 : memref<80x128xf32, #tpu.memory_space<vmem_shared>>) target(%dma_start3A_60 : memref<80x128xf32, #tpu.memory_space<hbm>>) target_semaphore(%run_scoped3A : memref<!tpu.dma_semaphore, #tpu.memory_space<semaphore_mem>>)
        %dma_wait3A = arith.constant 0 : i32
        %dma_wait3A_63 = tpu.memref_slice %arg5[%arg0, %add3A_58, %dma_wait3A] : memref<2x10000x128xf32, #tpu.memory_space<hbm>> -> memref<1x80x128xf32, #tpu.memory_space<hbm>>
        %dma_wait3A_64 = tpu.memref_squeeze %dma_wait3A_63 : memref<1x80x128xf32, #tpu.memory_space<hbm>> -> memref<80x128xf32, #tpu.memory_space<hbm>>
        %dma_wait3A_65 = arith.constant 0 : i32
        %dma_wait3A_66 = tpu.memref_slice %arg9[%add3A_55, %dma_wait3A_65] : memref<10000x128xf32, #tpu.memory_space<vmem_shared>> -> memref<80x128xf32, #tpu.memory_space<vmem_shared>>
        tpu.wait_dma2 semaphore(%run_scoped3A : memref<!tpu.dma_semaphore, #tpu.memory_space<semaphore_mem>>) src(%dma_wait3A_66 : memref<80x128xf32, #tpu.memory_space<vmem_shared>>) dst(%dma_wait3A_64 : memref<80x128xf32, #tpu.memory_space<hbm>>)
        tpu.yield
      }) : () -> ()
    }
    return
  }
}

#map = affine_map<(d0, d1) -> (0, 0)>
#map1 = affine_map<(d0, d1) -> (0, 0, 0)>
module attributes {stable_mosaic.version = 14 : i64} {
  func.func @agg_kernel(%arg0: i32, %arg1: i32, %arg2: memref<10000x128xf32, #tpu.memory_space<hbm>>, %arg3: memref<32x125x80xi32, #tpu.memory_space<hbm>>, %arg4: memref<32x125x80xi32, #tpu.memory_space<hbm>>, %arg5: memref<2x10000x128xf32, #tpu.memory_space<hbm>>, %arg6: memref<125x80xi32, #tpu.memory_space<vmem>>, %arg7: memref<125x80xi32, #tpu.memory_space<vmem>>, %arg8: memref<80x128xf32, #tpu.memory_space<vmem>>, %arg9: memref<10000x128xf32, #tpu.memory_space<vmem_shared>>, %arg10: memref<!tpu.dma_semaphore, #tpu.memory_space<semaphore_mem>>) attributes {dimension_semantics = [#tpu.dimension_semantics<core_parallel>, #tpu.dimension_semantics<subcore_parallel>], iteration_bounds = array<i64: 2, 16>, scalar_prefetch = 0 : i64, scratch_operands = 5 : i64, tpu.core_type = #tpu.core_type<sc_vector_subcore>, window_params = [{transform_indices = #map}, {transform_indices = #map1}, {transform_indices = #map1}, {transform_indices = #map1}]} {
    %mul3A = arith.constant 2 : i32
    %mul3A_0 = arith.muli %arg1, %mul3A : i32
    %add3A = arith.addi %mul3A_0, %arg0 : i32
    %scan3A = arith.constant 0 : i32
    %scan3A_1 = arith.constant 640 : i32
    %scan3A_2 = arith.addi %scan3A, %scan3A_1 : i32
    %scan3A_3 = arith.constant 1 : i32
    scf.for %scan3A_50 = %scan3A to %scan3A_2 step %scan3A_3  : i32 {
      %mul3A_51 = arith.constant 1 : i32
      %mul3A_52 = arith.muli %scan3A_50, %mul3A_51 : i32
      %add3A_53 = arith.constant 0 : i32
      %add3A_54 = arith.addi %add3A_53, %mul3A_52 : i32
      %jit3A_55 = arith.constant 8 : i32
      %div3A_56 = arith.divsi %add3A_54, %jit3A_55 : i32
      %sign3A = arith.constant 0 : i32
      %sign3A_57 = arith.cmpi sgt, %add3A_54, %sign3A : i32
      %sign3A_58 = arith.extui %sign3A_57 : i1 to i32
      %sign3A_59 = arith.constant 0 : i32
      %sign3A_60 = arith.cmpi slt, %add3A_54, %sign3A_59 : i32
      %sign3A_61 = arith.extui %sign3A_60 : i1 to i32
      %sign3A_62 = arith.subi %sign3A_58, %sign3A_61 : i32
      %sign3A_63 = arith.constant 0 : i32
      %sign3A_64 = arith.cmpi sgt, %jit3A_55, %sign3A_63 : i32
      %sign3A_65 = arith.extui %sign3A_64 : i1 to i32
      %sign3A_66 = arith.constant 0 : i32
      %sign3A_67 = arith.cmpi slt, %jit3A_55, %sign3A_66 : i32
      %sign3A_68 = arith.extui %sign3A_67 : i1 to i32
      %sign3A_69 = arith.subi %sign3A_65, %sign3A_68 : i32
      %ne3A = arith.cmpi ne, %sign3A_62, %sign3A_69 : i32
      %rem3A = arith.remsi %add3A_54, %jit3A_55 : i32
      %ne3A_70 = arith.constant 0 : i32
      %ne3A_71 = arith.cmpi ne, %rem3A, %ne3A_70 : i32
      %and3A = arith.andi %ne3A, %ne3A_71 : i1
      %sub3A_72 = arith.constant 1 : i32
      %sub3A_73 = arith.subi %div3A_56, %sub3A_72 : i32
      %select_n3A_74 = arith.select %and3A, %sub3A_73, %div3A_56 : i32
      %jit3A_75 = arith.constant 8 : i32
      %eq3A_76 = arith.constant 0 : i32
      %eq3A_77 = arith.cmpi eq, %jit3A_75, %eq3A_76 : i32
      %jit3A_78 = arith.constant 1 : i32
      %select_n3A_79 = arith.select %eq3A_77, %jit3A_78, %jit3A_75 : i32
      %rem3A_80 = arith.remsi %add3A_54, %select_n3A_79 : i32
      %ne3A_81 = arith.constant 0 : i32
      %ne3A_82 = arith.cmpi ne, %rem3A_80, %ne3A_81 : i32
      %lt3A = arith.constant 0 : i32
      %lt3A_83 = arith.cmpi slt, %rem3A_80, %lt3A : i32
      %lt3A_84 = arith.constant 0 : i32
      %lt3A_85 = arith.cmpi slt, %select_n3A_79, %lt3A_84 : i32
      %ne3A_86 = arith.xori %lt3A_83, %lt3A_85 : i1
      %and3A_87 = arith.andi %ne3A_86, %ne3A_82 : i1
      %add3A_88 = arith.addi %rem3A_80, %select_n3A_79 : i32
      %select_n3A_89 = arith.select %and3A_87, %add3A_88, %rem3A_80 : i32
      %mul3A_90 = arith.constant 16 : i32
      %mul3A_91 = arith.muli %select_n3A_89, %mul3A_90 : i32
      %broadcast_in_dim3A = arith.constant 0.000000e+00 : f32
      %broadcast_in_dim3A_92 = vector.broadcast %broadcast_in_dim3A : f32 to vector<16xf32>
      %swap3A = arith.index_cast %select_n3A_74 : i32 to index
      %swap3A_93 = arith.index_cast %mul3A_91 : i32 to index
      %swap3A_94 = tpu.vector_load %arg8[%swap3A, %swap3A_93] {strides = array<i32>} : memref<80x128xf32, #tpu.memory_space<vmem>>, vector<1x16xf32>,
      %swap3A_95 = vector.shape_cast %swap3A_94 : vector<1x16xf32> to vector<16xf32>
      %swap3A_96 = vector.shape_cast %broadcast_in_dim3A_92 : vector<16xf32> to vector<1x16xf32>
      tpu.vector_store %arg8[%swap3A, %swap3A_93], %swap3A_96 {strides = array<i32>} : memref<80x128xf32, #tpu.memory_space<vmem>>, vector<1x16xf32>,
    }
    %scan3A_4 = arith.constant 640 : i32
    %mul3A_5 = arith.constant 640 : i32
    %mul3A_6 = arith.muli %arg1, %mul3A_5 : i32
    %eq3A = arith.constant 15 : i32
    %eq3A_7 = arith.cmpi eq, %arg1, %eq3A : i32
    %jit3A = arith.constant 5 : i32
    %jit3A_8 = arith.constant 8 : i32
    %select_n3A = arith.select %eq3A_7, %jit3A, %jit3A_8 : i32
    %sub3A = arith.constant 0 : i32
    %sub3A_9 = arith.subi %select_n3A, %sub3A : i32
    %sub3A_10 = arith.constant 1 : i32
    %sub3A_11 = arith.constant 1 : i32
    %sub3A_12 = arith.subi %sub3A_10, %sub3A_11 : i32
    %add3A_13 = arith.addi %sub3A_9, %sub3A_12 : i32
    %div3A = arith.constant 1 : i32
    %div3A_14 = arith.divsi %add3A_13, %div3A : i32
    %while3A = arith.constant 1 : i32
    %while3A_15 = arith.constant 0 : i32
    %while3A_16 = arith.constant 0 : i32
    %while3A_17 = arith.subi %div3A_14, %while3A_16 : i32
    %while3A_18 = arith.addi %while3A_16, %while3A_17 : i32
    %while3A_19 = arith.constant 1 : i32
    %while3A_20 = arith.divsi %while3A_17, %while3A_19 : i32
    %while3A_21 = arith.muli %while3A_20, %while3A_19 : i32
    %while3A_22 = arith.addi %while3A_16, %while3A_21 : i32
    %while3A_23 = arith.constant 1 : i32
    scf.for %while3A_50 = %while3A_16 to %while3A_22 step %while3A_23  : i32 {
      %mul3A_51 = arith.muli %while3A_50, %while3A : i32
      %add3A_52 = arith.addi %while3A_15, %mul3A_51 : i32
      %mul3A_53 = arith.constant 80 : i32
      %mul3A_54 = arith.muli %add3A_52, %mul3A_53 : i32
      %add3A_55 = arith.addi %mul3A_6, %mul3A_54 : i32
      "tpu.region"() ({
        %run_scoped3A = tpu.sem_alloc : memref<!tpu.dma_semaphore, #tpu.memory_space<semaphore_mem>>
        %dma_start3A = arith.constant 0 : i32
        %dma_start3A_56 = tpu.memref_slice %arg9[%add3A_55, %dma_start3A] : memref<10000x128xf32, #tpu.memory_space<vmem_shared>> -> memref<80x128xf32, #tpu.memory_space<vmem_shared>>
        %dma_start3A_57 = arith.constant 0 : i32
        %dma_start3A_58 = tpu.memref_slice %arg9[%add3A_55, %dma_start3A_57] : memref<10000x128xf32, #tpu.memory_space<vmem_shared>> -> memref<80x128xf32, #tpu.memory_space<vmem_shared>>
        tpu.enqueue_dma source(%arg8 : memref<80x128xf32, #tpu.memory_space<vmem>>) target(%dma_start3A_58 : memref<80x128xf32, #tpu.memory_space<vmem_shared>>) target_semaphore(%run_scoped3A : memref<!tpu.dma_semaphore, #tpu.memory_space<semaphore_mem>>)
        %dma_wait3A = arith.constant 0 : i32
        %dma_wait3A_59 = tpu.memref_slice %arg9[%add3A_55, %dma_wait3A] : memref<10000x128xf32, #tpu.memory_space<vmem_shared>> -> memref<80x128xf32, #tpu.memory_space<vmem_shared>>
        %dma_wait3A_60 = arith.constant 0 : i32
        %dma_wait3A_61 = tpu.memref_slice %arg9[%add3A_55, %dma_wait3A_60] : memref<10000x128xf32, #tpu.memory_space<vmem_shared>> -> memref<80x128xf32, #tpu.memory_space<vmem_shared>>
        tpu.wait_dma2 semaphore(%run_scoped3A : memref<!tpu.dma_semaphore, #tpu.memory_space<semaphore_mem>>) src(%arg8 : memref<80x128xf32, #tpu.memory_space<vmem>>) dst(%dma_wait3A_61 : memref<80x128xf32, #tpu.memory_space<vmem_shared>>)
        tpu.yield
      }) : () -> ()
    }
    %while3A_24 = arith.constant 1 : i32
    scf.for %while3A_50 = %while3A_22 to %while3A_18 step %while3A_24  : i32 {
      %mul3A_51 = arith.muli %while3A_50, %while3A : i32
      %add3A_52 = arith.addi %while3A_15, %mul3A_51 : i32
      %mul3A_53 = arith.constant 80 : i32
      %mul3A_54 = arith.muli %add3A_52, %mul3A_53 : i32
      %add3A_55 = arith.addi %mul3A_6, %mul3A_54 : i32
      "tpu.region"() ({
        %run_scoped3A = tpu.sem_alloc : memref<!tpu.dma_semaphore, #tpu.memory_space<semaphore_mem>>
        %dma_start3A = arith.constant 0 : i32
        %dma_start3A_56 = tpu.memref_slice %arg9[%add3A_55, %dma_start3A] : memref<10000x128xf32, #tpu.memory_space<vmem_shared>> -> memref<80x128xf32, #tpu.memory_space<vmem_shared>>
        %dma_start3A_57 = arith.constant 0 : i32
        %dma_start3A_58 = tpu.memref_slice %arg9[%add3A_55, %dma_start3A_57] : memref<10000x128xf32, #tpu.memory_space<vmem_shared>> -> memref<80x128xf32, #tpu.memory_space<vmem_shared>>
        tpu.enqueue_dma source(%arg8 : memref<80x128xf32, #tpu.memory_space<vmem>>) target(%dma_start3A_58 : memref<80x128xf32, #tpu.memory_space<vmem_shared>>) target_semaphore(%run_scoped3A : memref<!tpu.dma_semaphore, #tpu.memory_space<semaphore_mem>>)
        %dma_wait3A = arith.constant 0 : i32
        %dma_wait3A_59 = tpu.memref_slice %arg9[%add3A_55, %dma_wait3A] : memref<10000x128xf32, #tpu.memory_space<vmem_shared>> -> memref<80x128xf32, #tpu.memory_space<vmem_shared>>
        %dma_wait3A_60 = arith.constant 0 : i32
        %dma_wait3A_61 = tpu.memref_slice %arg9[%add3A_55, %dma_wait3A_60] : memref<10000x128xf32, #tpu.memory_space<vmem_shared>> -> memref<80x128xf32, #tpu.memory_space<vmem_shared>>
        tpu.wait_dma2 semaphore(%run_scoped3A : memref<!tpu.dma_semaphore, #tpu.memory_space<semaphore_mem>>) src(%arg8 : memref<80x128xf32, #tpu.memory_space<vmem>>) dst(%dma_wait3A_61 : memref<80x128xf32, #tpu.memory_space<vmem_shared>>)
        tpu.yield
      }) : () -> ()
    }
    "tpu.region"() ({
      %run_scoped3A = tpu.sem_alloc : memref<!tpu.dma_semaphore, #tpu.memory_space<semaphore_mem>>
      %dma_start3A = arith.constant 0 : i32
      %dma_start3A_50 = arith.constant 0 : i32
      %dma_start3A_51 = tpu.memref_slice %arg3[%add3A, %dma_start3A, %dma_start3A_50] : memref<32x125x80xi32, #tpu.memory_space<hbm>> -> memref<1x125x80xi32, #tpu.memory_space<hbm>>
      %dma_start3A_52 = tpu.memref_squeeze %dma_start3A_51 : memref<1x125x80xi32, #tpu.memory_space<hbm>> -> memref<125x80xi32, #tpu.memory_space<hbm>>
      %dma_start3A_53 = arith.constant 0 : i32
      %dma_start3A_54 = arith.constant 0 : i32
      %dma_start3A_55 = tpu.memref_slice %arg3[%add3A, %dma_start3A_53, %dma_start3A_54] : memref<32x125x80xi32, #tpu.memory_space<hbm>> -> memref<1x125x80xi32, #tpu.memory_space<hbm>>
      %dma_start3A_56 = tpu.memref_squeeze %dma_start3A_55 : memref<1x125x80xi32, #tpu.memory_space<hbm>> -> memref<125x80xi32, #tpu.memory_space<hbm>>
      tpu.enqueue_dma source(%dma_start3A_56 : memref<125x80xi32, #tpu.memory_space<hbm>>) target(%arg6 : memref<125x80xi32, #tpu.memory_space<vmem>>) target_semaphore(%run_scoped3A : memref<!tpu.dma_semaphore, #tpu.memory_space<semaphore_mem>>)
      %dma_wait3A = arith.constant 0 : i32
      %dma_wait3A_57 = arith.constant 0 : i32
      %dma_wait3A_58 = tpu.memref_slice %arg3[%add3A, %dma_wait3A, %dma_wait3A_57] : memref<32x125x80xi32, #tpu.memory_space<hbm>> -> memref<1x125x80xi32, #tpu.memory_space<hbm>>
      %dma_wait3A_59 = tpu.memref_squeeze %dma_wait3A_58 : memref<1x125x80xi32, #tpu.memory_space<hbm>> -> memref<125x80xi32, #tpu.memory_space<hbm>>
      %dma_wait3A_60 = arith.constant 0 : i32
      %dma_wait3A_61 = arith.constant 0 : i32
      %dma_wait3A_62 = tpu.memref_slice %arg3[%add3A, %dma_wait3A_60, %dma_wait3A_61] : memref<32x125x80xi32, #tpu.memory_space<hbm>> -> memref<1x125x80xi32, #tpu.memory_space<hbm>>
      %dma_wait3A_63 = tpu.memref_squeeze %dma_wait3A_62 : memref<1x125x80xi32, #tpu.memory_space<hbm>> -> memref<125x80xi32, #tpu.memory_space<hbm>>
      tpu.wait_dma2 semaphore(%run_scoped3A : memref<!tpu.dma_semaphore, #tpu.memory_space<semaphore_mem>>) src(%dma_wait3A_63 : memref<125x80xi32, #tpu.memory_space<hbm>>) dst(%arg6 : memref<125x80xi32, #tpu.memory_space<vmem>>)
      tpu.yield
    }) : () -> ()
    "tpu.region"() ({
      %run_scoped3A = tpu.sem_alloc : memref<!tpu.dma_semaphore, #tpu.memory_space<semaphore_mem>>
      %dma_start3A = arith.constant 0 : i32
      %dma_start3A_50 = arith.constant 0 : i32
      %dma_start3A_51 = tpu.memref_slice %arg4[%add3A, %dma_start3A, %dma_start3A_50] : memref<32x125x80xi32, #tpu.memory_space<hbm>> -> memref<1x125x80xi32, #tpu.memory_space<hbm>>
      %dma_start3A_52 = tpu.memref_squeeze %dma_start3A_51 : memref<1x125x80xi32, #tpu.memory_space<hbm>> -> memref<125x80xi32, #tpu.memory_space<hbm>>
      %dma_start3A_53 = arith.constant 0 : i32
      %dma_start3A_54 = arith.constant 0 : i32
      %dma_start3A_55 = tpu.memref_slice %arg4[%add3A, %dma_start3A_53, %dma_start3A_54] : memref<32x125x80xi32, #tpu.memory_space<hbm>> -> memref<1x125x80xi32, #tpu.memory_space<hbm>>
      %dma_start3A_56 = tpu.memref_squeeze %dma_start3A_55 : memref<1x125x80xi32, #tpu.memory_space<hbm>> -> memref<125x80xi32, #tpu.memory_space<hbm>>
      tpu.enqueue_dma source(%dma_start3A_56 : memref<125x80xi32, #tpu.memory_space<hbm>>) target(%arg7 : memref<125x80xi32, #tpu.memory_space<vmem>>) target_semaphore(%run_scoped3A : memref<!tpu.dma_semaphore, #tpu.memory_space<semaphore_mem>>)
      %dma_wait3A = arith.constant 0 : i32
      %dma_wait3A_57 = arith.constant 0 : i32
      %dma_wait3A_58 = tpu.memref_slice %arg4[%add3A, %dma_wait3A, %dma_wait3A_57] : memref<32x125x80xi32, #tpu.memory_space<hbm>> -> memref<1x125x80xi32, #tpu.memory_space<hbm>>
      %dma_wait3A_59 = tpu.memref_squeeze %dma_wait3A_58 : memref<1x125x80xi32, #tpu.memory_space<hbm>> -> memref<125x80xi32, #tpu.memory_space<hbm>>
      %dma_wait3A_60 = arith.constant 0 : i32
      %dma_wait3A_61 = arith.constant 0 : i32
      %dma_wait3A_62 = tpu.memref_slice %arg4[%add3A, %dma_wait3A_60, %dma_wait3A_61] : memref<32x125x80xi32, #tpu.memory_space<hbm>> -> memref<1x125x80xi32, #tpu.memory_space<hbm>>
      %dma_wait3A_63 = tpu.memref_squeeze %dma_wait3A_62 : memref<1x125x80xi32, #tpu.memory_space<hbm>> -> memref<125x80xi32, #tpu.memory_space<hbm>>
      tpu.wait_dma2 semaphore(%run_scoped3A : memref<!tpu.dma_semaphore, #tpu.memory_space<semaphore_mem>>) src(%dma_wait3A_63 : memref<125x80xi32, #tpu.memory_space<hbm>>) dst(%arg7 : memref<125x80xi32, #tpu.memory_space<vmem>>)
      tpu.yield
    }) : () -> ()
    %barrier3A = arith.constant 0 : index
    tpu.barrier barrier_id(%barrier3A)
    %scan3A_25 = arith.constant 0 : i32
    %scan3A_26 = arith.constant 125 : i32
    %scan3A_27 = arith.addi %scan3A_25, %scan3A_26 : i32
    %scan3A_28 = arith.constant 1 : i32
    scf.for %scan3A_50 = %scan3A_25 to %scan3A_27 step %scan3A_28  : i32 {
      %mul3A_51 = arith.constant 1 : i32
      %mul3A_52 = arith.muli %scan3A_50, %mul3A_51 : i32
      %add3A_53 = arith.constant 0 : i32
      %add3A_54 = arith.addi %add3A_53, %mul3A_52 : i32
      %dma_start3A = arith.constant 0 : i32
      %dma_start3A_55 = tpu.memref_slice %arg6[%add3A_54, %dma_start3A] : memref<125x80xi32, #tpu.memory_space<vmem>> -> memref<1x80xi32, #tpu.memory_space<vmem>>
      %dma_start3A_56 = tpu.memref_squeeze %dma_start3A_55 : memref<1x80xi32, #tpu.memory_space<vmem>> -> memref<80xi32, #tpu.memory_space<vmem>>
      %dma_start3A_57 = arith.constant 0 : i32
      %dma_start3A_58 = arith.constant 0 : i32
      %dma_start3A_59 = tpu.memref_slice %arg2[%dma_start3A_57, %dma_start3A_58] : memref<10000x128xf32, #tpu.memory_space<hbm>> -> memref<10000x128xf32, #tpu.memory_space<hbm>>
      tpu.enqueue_indirect_dma source(%dma_start3A_59 : memref<10000x128xf32, #tpu.memory_space<hbm>>) target(%arg8 : memref<80x128xf32, #tpu.memory_space<vmem>>) offsets(%dma_start3A_56 : memref<80xi32, #tpu.memory_space<vmem>>) semaphore(%arg10 : memref<!tpu.dma_semaphore, #tpu.memory_space<semaphore_mem>>)
      %dma_wait3A = arith.constant 0 : i32
      %dma_wait3A_60 = tpu.memref_slice %arg6[%add3A_54, %dma_wait3A] : memref<125x80xi32, #tpu.memory_space<vmem>> -> memref<1x80xi32, #tpu.memory_space<vmem>>
      %dma_wait3A_61 = tpu.memref_squeeze %dma_wait3A_60 : memref<1x80xi32, #tpu.memory_space<vmem>> -> memref<80xi32, #tpu.memory_space<vmem>>
      %dma_wait3A_62 = arith.constant 0 : i32
      %dma_wait3A_63 = arith.constant 0 : i32
      %dma_wait3A_64 = tpu.memref_slice %arg2[%dma_wait3A_62, %dma_wait3A_63] : memref<10000x128xf32, #tpu.memory_space<hbm>> -> memref<10000x128xf32, #tpu.memory_space<hbm>>
      tpu.wait_indirect_dma semaphore(%arg10 : memref<!tpu.dma_semaphore, #tpu.memory_space<semaphore_mem>>) src(%dma_wait3A_64 : memref<10000x128xf32, #tpu.memory_space<hbm>>) dst(%arg8 : memref<80x128xf32, #tpu.memory_space<vmem>>)
      "tpu.region"() ({
        %run_scoped3A = tpu.sem_alloc : memref<!tpu.dma_semaphore, #tpu.memory_space<semaphore_mem>>
        %dma_start3A_65 = arith.constant 0 : i32
        %dma_start3A_66 = tpu.memref_slice %arg7[%add3A_54, %dma_start3A_65] : memref<125x80xi32, #tpu.memory_space<vmem>> -> memref<1x80xi32, #tpu.memory_space<vmem>>
        %dma_start3A_67 = tpu.memref_squeeze %dma_start3A_66 : memref<1x80xi32, #tpu.memory_space<vmem>> -> memref<80xi32, #tpu.memory_space<vmem>>
        %dma_start3A_68 = arith.constant 0 : i32
        %dma_start3A_69 = arith.constant 0 : i32
        %dma_start3A_70 = tpu.memref_slice %arg9[%dma_start3A_68, %dma_start3A_69] : memref<10000x128xf32, #tpu.memory_space<vmem_shared>> -> memref<10000x128xf32, #tpu.memory_space<vmem_shared>>
        tpu.enqueue_indirect_dma source(%arg8 : memref<80x128xf32, #tpu.memory_space<vmem>>) target(%dma_start3A_70 : memref<10000x128xf32, #tpu.memory_space<vmem_shared>>) offsets(%dma_start3A_67 : memref<80xi32, #tpu.memory_space<vmem>>) semaphore(%run_scoped3A : memref<!tpu.dma_semaphore, #tpu.memory_space<semaphore_mem>>) {add = true}
        %dma_wait3A_71 = arith.constant 0 : i32
        %dma_wait3A_72 = tpu.memref_slice %arg7[%add3A_54, %dma_wait3A_71] : memref<125x80xi32, #tpu.memory_space<vmem>> -> memref<1x80xi32, #tpu.memory_space<vmem>>
        %dma_wait3A_73 = tpu.memref_squeeze %dma_wait3A_72 : memref<1x80xi32, #tpu.memory_space<vmem>> -> memref<80xi32, #tpu.memory_space<vmem>>
        %dma_wait3A_74 = arith.constant 0 : i32
        %dma_wait3A_75 = arith.constant 0 : i32
        %dma_wait3A_76 = tpu.memref_slice %arg9[%dma_wait3A_74, %dma_wait3A_75] : memref<10000x128xf32, #tpu.memory_space<vmem_shared>> -> memref<10000x128xf32, #tpu.memory_space<vmem_shared>>
        tpu.wait_indirect_dma semaphore(%run_scoped3A : memref<!tpu.dma_semaphore, #tpu.memory_space<semaphore_mem>>) src(%arg8 : memref<80x128xf32, #tpu.memory_space<vmem>>) dst(%dma_wait3A_76 : memref<10000x128xf32, #tpu.memory_space<vmem_shared>>)
        tpu.yield
      }) : () -> ()
    }
    %scan3A_29 = arith.constant 125 : i32
    %barrier3A_30 = arith.constant 0 : index
    tpu.barrier barrier_id(%barrier3A_30)
    %sub3A_31 = arith.constant 0 : i32
    %sub3A_32 = arith.subi %select_n3A, %sub3A_31 : i32
    %sub3A_33 = arith.constant 1 : i32
    %sub3A_34 = arith.constant 1 : i32
    %sub3A_35 = arith.subi %sub3A_33, %sub3A_34 : i32
    %add3A_36 = arith.addi %sub3A_32, %sub3A_35 : i32
    %div3A_37 = arith.constant 1 : i32
    %div3A_38 = arith.divsi %add3A_36, %div3A_37 : i32
    %while3A_39 = arith.constant 1 : i32
    %while3A_40 = arith.constant 0 : i32
    %while3A_41 = arith.constant 0 : i32
    %while3A_42 = arith.subi %div3A_38, %while3A_41 : i32
    %while3A_43 = arith.addi %while3A_41, %while3A_42 : i32
    %while3A_44 = arith.constant 1 : i32
    %while3A_45 = arith.divsi %while3A_42, %while3A_44 : i32
    %while3A_46 = arith.muli %while3A_45, %while3A_44 : i32
    %while3A_47 = arith.addi %while3A_41, %while3A_46 : i32
    %while3A_48 = arith.constant 1 : i32
    scf.for %while3A_50 = %while3A_41 to %while3A_47 step %while3A_48  : i32 {
      %mul3A_51 = arith.muli %while3A_50, %while3A_39 : i32
      %add3A_52 = arith.addi %while3A_40, %mul3A_51 : i32
      %mul3A_53 = arith.constant 80 : i32
      %mul3A_54 = arith.muli %add3A_52, %mul3A_53 : i32
      %add3A_55 = arith.addi %mul3A_6, %mul3A_54 : i32
      %mul3A_56 = arith.constant 80 : i32
      %mul3A_57 = arith.muli %add3A_52, %mul3A_56 : i32
      %add3A_58 = arith.addi %mul3A_6, %mul3A_57 : i32
      "tpu.region"() ({
        %run_scoped3A = tpu.sem_alloc : memref<!tpu.dma_semaphore, #tpu.memory_space<semaphore_mem>>
        %dma_start3A = arith.constant 0 : i32
        %dma_start3A_59 = tpu.memref_slice %arg5[%arg0, %add3A_58, %dma_start3A] : memref<2x10000x128xf32, #tpu.memory_space<hbm>> -> memref<1x80x128xf32, #tpu.memory_space<hbm>>
        %dma_start3A_60 = tpu.memref_squeeze %dma_start3A_59 : memref<1x80x128xf32, #tpu.memory_space<hbm>> -> memref<80x128xf32, #tpu.memory_space<hbm>>
        %dma_start3A_61 = arith.constant 0 : i32
        %dma_start3A_62 = tpu.memref_slice %arg9[%add3A_55, %dma_start3A_61] : memref<10000x128xf32, #tpu.memory_space<vmem_shared>> -> memref<80x128xf32, #tpu.memory_space<vmem_shared>>
        tpu.enqueue_dma source(%dma_start3A_62 : memref<80x128xf32, #tpu.memory_space<vmem_shared>>) target(%dma_start3A_60 : memref<80x128xf32, #tpu.memory_space<hbm>>) target_semaphore(%run_scoped3A : memref<!tpu.dma_semaphore, #tpu.memory_space<semaphore_mem>>)
        %dma_wait3A = arith.constant 0 : i32
        %dma_wait3A_63 = tpu.memref_slice %arg5[%arg0, %add3A_58, %dma_wait3A] : memref<2x10000x128xf32, #tpu.memory_space<hbm>> -> memref<1x80x128xf32, #tpu.memory_space<hbm>>
        %dma_wait3A_64 = tpu.memref_squeeze %dma_wait3A_63 : memref<1x80x128xf32, #tpu.memory_space<hbm>> -> memref<80x128xf32, #tpu.memory_space<hbm>>
        %dma_wait3A_65 = arith.constant 0 : i32
        %dma_wait3A_66 = tpu.memref_slice %arg9[%add3A_55, %dma_wait3A_65] : memref<10000x128xf32, #tpu.memory_space<vmem_shared>> -> memref<80x128xf32, #tpu.memory_space<vmem_shared>>
        tpu.wait_dma2 semaphore(%run_scoped3A : memref<!tpu.dma_semaphore, #tpu.memory_space<semaphore_mem>>) src(%dma_wait3A_66 : memref<80x128xf32, #tpu.memory_space<vmem_shared>>) dst(%dma_wait3A_64 : memref<80x128xf32, #tpu.memory_space<hbm>>)
        tpu.yield
      }) : () -> ()
    }
    %while3A_49 = arith.constant 1 : i32
    scf.for %while3A_50 = %while3A_47 to %while3A_43 step %while3A_49  : i32 {
      %mul3A_51 = arith.muli %while3A_50, %while3A_39 : i32
      %add3A_52 = arith.addi %while3A_40, %mul3A_51 : i32
      %mul3A_53 = arith.constant 80 : i32
      %mul3A_54 = arith.muli %add3A_52, %mul3A_53 : i32
      %add3A_55 = arith.addi %mul3A_6, %mul3A_54 : i32
      %mul3A_56 = arith.constant 80 : i32
      %mul3A_57 = arith.muli %add3A_52, %mul3A_56 : i32
      %add3A_58 = arith.addi %mul3A_6, %mul3A_57 : i32
      "tpu.region"() ({
        %run_scoped3A = tpu.sem_alloc : memref<!tpu.dma_semaphore, #tpu.memory_space<semaphore_mem>>
        %dma_start3A = arith.constant 0 : i32
        %dma_start3A_59 = tpu.memref_slice %arg5[%arg0, %add3A_58, %dma_start3A] : memref<2x10000x128xf32, #tpu.memory_space<hbm>> -> memref<1x80x128xf32, #tpu.memory_space<hbm>>
        %dma_start3A_60 = tpu.memref_squeeze %dma_start3A_59 : memref<1x80x128xf32, #tpu.memory_space<hbm>> -> memref<80x128xf32, #tpu.memory_space<hbm>>
        %dma_start3A_61 = arith.constant 0 : i32
        %dma_start3A_62 = tpu.memref_slice %arg9[%add3A_55, %dma_start3A_61] : memref<10000x128xf32, #tpu.memory_space<vmem_shared>> -> memref<80x128xf32, #tpu.memory_space<vmem_shared>>
        tpu.enqueue_dma source(%dma_start3A_62 : memref<80x128xf32, #tpu.memory_space<vmem_shared>>) target(%dma_start3A_60 : memref<80x128xf32, #tpu.memory_space<hbm>>) target_semaphore(%run_scoped3A : memref<!tpu.dma_semaphore, #tpu.memory_space<semaphore_mem>>)
        %dma_wait3A = arith.constant 0 : i32
        %dma_wait3A_63 = tpu.memref_slice %arg5[%arg0, %add3A_58, %dma_wait3A] : memref<2x10000x128xf32, #tpu.memory_space<hbm>> -> memref<1x80x128xf32, #tpu.memory_space<hbm>>
        %dma_wait3A_64 = tpu.memref_squeeze %dma_wait3A_63 : memref<1x80x128xf32, #tpu.memory_space<hbm>> -> memref<80x128xf32, #tpu.memory_space<hbm>>
        %dma_wait3A_65 = arith.constant 0 : i32
        %dma_wait3A_66 = tpu.memref_slice %arg9[%add3A_55, %dma_wait3A_65] : memref<10000x128xf32, #tpu.memory_space<vmem_shared>> -> memref<80x128xf32, #tpu.memory_space<vmem_shared>>
        tpu.wait_dma2 semaphore(%run_scoped3A : memref<!tpu.dma_semaphore, #tpu.memory_space<semaphore_mem>>) src(%dma_wait3A_66 : memref<80x128xf32, #tpu.memory_space<vmem_shared>>) dst(%dma_wait3A_64 : memref<80x128xf32, #tpu.memory_space<hbm>>)
        tpu.yield
      }) : () -> ()
    }
    return
  }
}

module attributes {stable_mosaic.version = 14 : i64} {
  func.func @_mlp_body(%arg0: i32, %arg1: memref<1000x128xf32, #tpu.memory_space<vmem>>, %arg2: memref<1000x128xf32, #tpu.memory_space<vmem>>, %arg3: memref<1000x128xf32, #tpu.memory_space<vmem>>, %arg4: memref<128x128xf32, #tpu.memory_space<vmem>>, %arg5: memref<1x128xf32, #tpu.memory_space<vmem>>, %arg6: memref<128x128xf32, #tpu.memory_space<vmem>>, %arg7: memref<1x128xf32, #tpu.memory_space<vmem>>, %arg8: memref<1x128xf32, #tpu.memory_space<vmem>>, %arg9: memref<1x128xf32, #tpu.memory_space<vmem>>, %arg10: memref<1000x128xf32, #tpu.memory_space<vmem>>) attributes {dimension_semantics = [#tpu.dimension_semantics<arbitrary>], iteration_bounds = array<i64: 10>, scalar_prefetch = 0 : i64, scratch_operands = 0 : i64, tpu.core_type = #tpu.core_type<tc>, window_params = [{transform_indices = @transform_0, window_bounds = array<i64: 1000, 128>}, {transform_indices = @transform_1, window_bounds = array<i64: 1000, 128>}, {transform_indices = @transform_2, window_bounds = array<i64: 1000, 128>}, {pipeline_mode = #tpu.pipeline_mode<synchronous>, transform_indices = @transform_3, window_bounds = array<i64: 128, 128>}, {pipeline_mode = #tpu.pipeline_mode<synchronous>, transform_indices = @transform_4, window_bounds = array<i64: 1, 128>}, {pipeline_mode = #tpu.pipeline_mode<synchronous>, transform_indices = @transform_5, window_bounds = array<i64: 128, 128>}, {pipeline_mode = #tpu.pipeline_mode<synchronous>, transform_indices = @transform_6, window_bounds = array<i64: 1, 128>}, {pipeline_mode = #tpu.pipeline_mode<synchronous>, transform_indices = @transform_7, window_bounds = array<i64: 1, 128>}, {pipeline_mode = #tpu.pipeline_mode<synchronous>, transform_indices = @transform_8, window_bounds = array<i64: 1, 128>}, {transform_indices = @transform_9, window_bounds = array<i64: 1000, 128>}]} {
    %get3A = arith.constant 0 : index
    %get3A_0 = arith.constant 0 : index
    %get3A_1 = vector.load %arg1[%get3A, %get3A_0] : memref<1000x128xf32, #tpu.memory_space<vmem>>, vector<1000x128xf32>
    %get3A_2 = arith.constant 0 : index
    %get3A_3 = arith.constant 0 : index
    %get3A_4 = vector.load %arg2[%get3A_2, %get3A_3] : memref<1000x128xf32, #tpu.memory_space<vmem>>, vector<1000x128xf32>
    %add3A = arith.addf %get3A_1, %get3A_4 : vector<1000x128xf32>
    %get3A_5 = arith.constant 0 : index
    %get3A_6 = arith.constant 0 : index
    %get3A_7 = vector.load %arg3[%get3A_5, %get3A_6] : memref<1000x128xf32, #tpu.memory_space<vmem>>, vector<1000x128xf32>
    %add3A_8 = arith.addf %add3A, %get3A_7 : vector<1000x128xf32>
    %get3A_9 = arith.constant 0 : index
    %get3A_10 = arith.constant 0 : index
    %get3A_11 = vector.load %arg4[%get3A_9, %get3A_10] : memref<128x128xf32, #tpu.memory_space<vmem>>, vector<128x128xf32>
    %dot_general3A = arith.constant dense<0.000000e+00> : vector<1000x128xf32>
    %dot_general3A_12 = tpu.matmul %add3A_8, %get3A_11, %dot_general3A {dimension_numbers = #tpu.dot_dimension_numbers<[1], [0], [0], [1], [0, 0, 1, 1], [], []>, transpose_lhs_hint = false} : vector<1000x128xf32>, vector<128x128xf32>, vector<1000x128xf32> -> vector<1000x128xf32>
    %get3A_13 = arith.constant 0 : index
    %get3A_14 = arith.constant 0 : index
    %get3A_15 = vector.load %arg5[%get3A_13, %get3A_14] : memref<1x128xf32, #tpu.memory_space<vmem>>, vector<1x128xf32>
    %add3A_16 = vector.broadcast %get3A_15 : vector<1x128xf32> to vector<1000x128xf32>
    %add3A_17 = arith.addf %dot_general3A_12, %add3A_16 : vector<1000x128xf32>
    %max3A = arith.constant 0.000000e+00 : f32
    %max3A_18 = vector.broadcast %max3A : f32 to vector<1000x128xf32>
    %max3A_19 = arith.maximumf %add3A_17, %max3A_18 : vector<1000x128xf32>
    %get3A_20 = arith.constant 0 : index
    %get3A_21 = arith.constant 0 : index
    %get3A_22 = vector.load %arg6[%get3A_20, %get3A_21] : memref<128x128xf32, #tpu.memory_space<vmem>>, vector<128x128xf32>
    %dot_general3A_23 = arith.constant dense<0.000000e+00> : vector<1000x128xf32>
    %dot_general3A_24 = tpu.matmul %max3A_19, %get3A_22, %dot_general3A_23 {dimension_numbers = #tpu.dot_dimension_numbers<[1], [0], [0], [1], [0, 0, 1, 1], [], []>, transpose_lhs_hint = false} : vector<1000x128xf32>, vector<128x128xf32>, vector<1000x128xf32> -> vector<1000x128xf32>
    %get3A_25 = arith.constant 0 : index
    %get3A_26 = arith.constant 0 : index
    %get3A_27 = vector.load %arg7[%get3A_25, %get3A_26] : memref<1x128xf32, #tpu.memory_space<vmem>>, vector<1x128xf32>
    %add3A_28 = vector.broadcast %get3A_27 : vector<1x128xf32> to vector<1000x128xf32>
    %add3A_29 = arith.addf %dot_general3A_24, %add3A_28 : vector<1000x128xf32>
    %max3A_30 = arith.constant 0.000000e+00 : f32
    %max3A_31 = vector.broadcast %max3A_30 : f32 to vector<1000x128xf32>
    %max3A_32 = arith.maximumf %add3A_29, %max3A_31 : vector<1000x128xf32>
    %reduce_sum3A = arith.constant dense<0.000000e+00> : vector<1000xf32>
    %reduce_sum3A_33 = vector.multi_reduction <add>, %max3A_32, %reduce_sum3A [1] : vector<1000x128xf32> to vector<1000xf32>
    %broadcast_in_dim3A = vector.shape_cast %reduce_sum3A_33 : vector<1000xf32> to vector<1000x1xf32>
    %div3A = arith.constant 1.280000e+02 : f32
    %div3A_34 = vector.broadcast %div3A : f32 to vector<1000x1xf32>
    %div3A_35 = arith.divf %broadcast_in_dim3A, %div3A_34 : vector<1000x1xf32>
    %sub3A = vector.broadcast %div3A_35 : vector<1000x1xf32> to vector<1000x128xf32>
    %sub3A_36 = arith.subf %max3A_32, %sub3A : vector<1000x128xf32>
    %integer_pow3A = arith.mulf %sub3A_36, %sub3A_36 : vector<1000x128xf32>
    %reduce_sum3A_37 = arith.constant dense<0.000000e+00> : vector<1000xf32>
    %reduce_sum3A_38 = vector.multi_reduction <add>, %integer_pow3A, %reduce_sum3A_37 [1] : vector<1000x128xf32> to vector<1000xf32>
    %broadcast_in_dim3A_39 = vector.shape_cast %reduce_sum3A_38 : vector<1000xf32> to vector<1000x1xf32>
    %div3A_40 = arith.constant 1.280000e+02 : f32
    %div3A_41 = vector.broadcast %div3A_40 : f32 to vector<1000x1xf32>
    %div3A_42 = arith.divf %broadcast_in_dim3A_39, %div3A_41 : vector<1000x1xf32>
    %sub3A_43 = vector.broadcast %div3A_35 : vector<1000x1xf32> to vector<1000x128xf32>
    %sub3A_44 = arith.subf %max3A_32, %sub3A_43 : vector<1000x128xf32>
    %add3A_45 = arith.constant 9.99999974E-6 : f32
    %add3A_46 = vector.broadcast %add3A_45 : f32 to vector<1000x1xf32>
    %add3A_47 = arith.addf %div3A_42, %add3A_46 : vector<1000x1xf32>
    %sqrt3A = math.sqrt %add3A_47 : vector<1000x1xf32>
    %div3A_48 = vector.broadcast %sqrt3A : vector<1000x1xf32> to vector<1000x128xf32>
    %div3A_49 = arith.divf %sub3A_44, %div3A_48 : vector<1000x128xf32>
    %get3A_50 = arith.constant 0 : index
    %get3A_51 = arith.constant 0 : index
    %get3A_52 = vector.load %arg8[%get3A_50, %get3A_51] : memref<1x128xf32, #tpu.memory_space<vmem>>, vector<1x128xf32>
    %mul3A = vector.broadcast %get3A_52 : vector<1x128xf32> to vector<1000x128xf32>
    %mul3A_53 = arith.mulf %div3A_49, %mul3A : vector<1000x128xf32>
    %get3A_54 = arith.constant 0 : index
    %get3A_55 = arith.constant 0 : index
    %get3A_56 = vector.load %arg9[%get3A_54, %get3A_55] : memref<1x128xf32, #tpu.memory_space<vmem>>, vector<1x128xf32>
    %add3A_57 = vector.broadcast %get3A_56 : vector<1x128xf32> to vector<1000x128xf32>
    %add3A_58 = arith.addf %mul3A_53, %add3A_57 : vector<1000x128xf32>
    %swap3A = arith.constant 0 : index
    %swap3A_59 = arith.constant 0 : index
    %swap3A_60 = vector.load %arg10[%swap3A, %swap3A_59] : memref<1000x128xf32, #tpu.memory_space<vmem>>, vector<1000x128xf32>
    tpu.vector_store %arg10[%swap3A, %swap3A_59], %add3A_58 {strides = array<i32>} : memref<1000x128xf32, #tpu.memory_space<vmem>>, vector<1000x128xf32>,
    return
  }
  func.func @transform_0(%arg0: i32) -> (i32, i32) {
    %c0_i32 = arith.constant 0 : i32
    %c0_i32_0 = arith.constant 0 : i32
    return %arg0, %c0_i32 : i32, i32
  }
  func.func @transform_1(%arg0: i32) -> (i32, i32) {
    %c0_i32 = arith.constant 0 : i32
    %c0_i32_0 = arith.constant 0 : i32
    return %arg0, %c0_i32 : i32, i32
  }
  func.func @transform_2(%arg0: i32) -> (i32, i32) {
    %c0_i32 = arith.constant 0 : i32
    %c0_i32_0 = arith.constant 0 : i32
    return %arg0, %c0_i32 : i32, i32
  }
  func.func @transform_3(%arg0: i32) -> (i32, i32) {
    %c0_i32 = arith.constant 0 : i32
    %c0_i32_0 = arith.constant 0 : i32
    %c0_i32_1 = arith.constant 0 : i32
    return %c0_i32, %c0_i32_0 : i32, i32
  }
  func.func @transform_4(%arg0: i32) -> (i32, i32) {
    %c0_i32 = arith.constant 0 : i32
    %c0_i32_0 = arith.constant 0 : i32
    %c0_i32_1 = arith.constant 0 : i32
    return %c0_i32, %c0_i32_0 : i32, i32
  }
  func.func @transform_5(%arg0: i32) -> (i32, i32) {
    %c0_i32 = arith.constant 0 : i32
    %c0_i32_0 = arith.constant 0 : i32
    %c0_i32_1 = arith.constant 0 : i32
    return %c0_i32, %c0_i32_0 : i32, i32
  }
  func.func @transform_6(%arg0: i32) -> (i32, i32) {
    %c0_i32 = arith.constant 0 : i32
    %c0_i32_0 = arith.constant 0 : i32
    %c0_i32_1 = arith.constant 0 : i32
    return %c0_i32, %c0_i32_0 : i32, i32
  }
  func.func @transform_7(%arg0: i32) -> (i32, i32) {
    %c0_i32 = arith.constant 0 : i32
    %c0_i32_0 = arith.constant 0 : i32
    %c0_i32_1 = arith.constant 0 : i32
    return %c0_i32, %c0_i32_0 : i32, i32
  }
  func.func @transform_8(%arg0: i32) -> (i32, i32) {
    %c0_i32 = arith.constant 0 : i32
    %c0_i32_0 = arith.constant 0 : i32
    %c0_i32_1 = arith.constant 0 : i32
    return %c0_i32, %c0_i32_0 : i32, i32
  }
  func.func @transform_9(%arg0: i32) -> (i32, i32) {
    %c0_i32 = arith.constant 0 : i32
    %c0_i32_0 = arith.constant 0 : i32
    return %arg0, %c0_i32 : i32, i32
  }
}

module attributes {stable_mosaic.version = 14 : i64} {
  func.func @_final_body(%arg0: i32, %arg1: memref<1000x128xf32, #tpu.memory_space<vmem>>, %arg2: memref<1000x128xf32, #tpu.memory_space<vmem>>, %arg3: memref<1000x128xf32, #tpu.memory_space<vmem>>, %arg4: memref<128x128xf32, #tpu.memory_space<vmem>>, %arg5: memref<1x128xf32, #tpu.memory_space<vmem>>, %arg6: memref<128x128xf32, #tpu.memory_space<vmem>>, %arg7: memref<1x128xf32, #tpu.memory_space<vmem>>, %arg8: memref<1x1x1000xi32, #tpu.memory_space<vmem>>, %arg9: memref<128x128xf32, #tpu.memory_space<vmem>>, %arg10: memref<1x128xf32, #tpu.memory_space<vmem>>, %arg11: memref<128x128xf32, #tpu.memory_space<vmem>>, %arg12: memref<1x128xf32, #tpu.memory_space<vmem>>, %arg13: memref<64x128xf32, #tpu.memory_space<vmem>>, %arg14: memref<64x128xf32, #tpu.memory_space<vmem>>, %arg15: memref<64x128xf32, #tpu.memory_space<vmem>>) attributes {dimension_semantics = [#tpu.dimension_semantics<arbitrary>], iteration_bounds = array<i64: 10>, scalar_prefetch = 0 : i64, scratch_operands = 2 : i64, tpu.core_type = #tpu.core_type<tc>, window_params = [{transform_indices = @transform_0, window_bounds = array<i64: 1000, 128>}, {transform_indices = @transform_1, window_bounds = array<i64: 1000, 128>}, {transform_indices = @transform_2, window_bounds = array<i64: 1000, 128>}, {pipeline_mode = #tpu.pipeline_mode<synchronous>, transform_indices = @transform_3, window_bounds = array<i64: 128, 128>}, {pipeline_mode = #tpu.pipeline_mode<synchronous>, transform_indices = @transform_4, window_bounds = array<i64: 1, 128>}, {pipeline_mode = #tpu.pipeline_mode<synchronous>, transform_indices = @transform_5, window_bounds = array<i64: 128, 128>}, {pipeline_mode = #tpu.pipeline_mode<synchronous>, transform_indices = @transform_6, window_bounds = array<i64: 1, 128>}, {transform_indices = @transform_7, window_bounds = array<i64: 1, 1, 1000>}, {pipeline_mode = #tpu.pipeline_mode<synchronous>, transform_indices = @transform_8, window_bounds = array<i64: 128, 128>}, {pipeline_mode = #tpu.pipeline_mode<synchronous>, transform_indices = @transform_9, window_bounds = array<i64: 1, 128>}, {pipeline_mode = #tpu.pipeline_mode<synchronous>, transform_indices = @transform_10, window_bounds = array<i64: 128, 128>}, {pipeline_mode = #tpu.pipeline_mode<synchronous>, transform_indices = @transform_11, window_bounds = array<i64: 1, 128>}, {pipeline_mode = #tpu.pipeline_mode<synchronous>, transform_indices = @transform_12, window_bounds = array<i64: 64, 128>}]} {
    %get3A = arith.constant 0 : index
    %get3A_0 = arith.constant 0 : index
    %get3A_1 = vector.load %arg1[%get3A, %get3A_0] : memref<1000x128xf32, #tpu.memory_space<vmem>>, vector<1000x128xf32>
    %get3A_2 = arith.constant 0 : index
    %get3A_3 = arith.constant 0 : index
    %get3A_4 = vector.load %arg2[%get3A_2, %get3A_3] : memref<1000x128xf32, #tpu.memory_space<vmem>>, vector<1000x128xf32>
    %add3A = arith.addf %get3A_1, %get3A_4 : vector<1000x128xf32>
    %get3A_5 = arith.constant 0 : index
    %get3A_6 = arith.constant 0 : index
    %get3A_7 = vector.load %arg3[%get3A_5, %get3A_6] : memref<1000x128xf32, #tpu.memory_space<vmem>>, vector<1000x128xf32>
    %add3A_8 = arith.addf %add3A, %get3A_7 : vector<1000x128xf32>
    %get3A_9 = arith.constant 0 : index
    %get3A_10 = arith.constant 0 : index
    %get3A_11 = vector.load %arg4[%get3A_9, %get3A_10] : memref<128x128xf32, #tpu.memory_space<vmem>>, vector<128x128xf32>
    %dot_general3A = arith.constant dense<0.000000e+00> : vector<1000x128xf32>
    %dot_general3A_12 = tpu.matmul %add3A_8, %get3A_11, %dot_general3A {dimension_numbers = #tpu.dot_dimension_numbers<[1], [0], [0], [1], [0, 0, 1, 1], [], []>, transpose_lhs_hint = false} : vector<1000x128xf32>, vector<128x128xf32>, vector<1000x128xf32> -> vector<1000x128xf32>
    %get3A_13 = arith.constant 0 : index
    %get3A_14 = arith.constant 0 : index
    %get3A_15 = vector.load %arg5[%get3A_13, %get3A_14] : memref<1x128xf32, #tpu.memory_space<vmem>>, vector<1x128xf32>
    %add3A_16 = vector.broadcast %get3A_15 : vector<1x128xf32> to vector<1000x128xf32>
    %add3A_17 = arith.addf %dot_general3A_12, %add3A_16 : vector<1000x128xf32>
    %max3A = arith.constant 0.000000e+00 : f32
    %max3A_18 = vector.broadcast %max3A : f32 to vector<1000x128xf32>
    %max3A_19 = arith.maximumf %add3A_17, %max3A_18 : vector<1000x128xf32>
    %get3A_20 = arith.constant 0 : index
    %get3A_21 = arith.constant 0 : index
    %get3A_22 = vector.load %arg6[%get3A_20, %get3A_21] : memref<128x128xf32, #tpu.memory_space<vmem>>, vector<128x128xf32>
    %dot_general3A_23 = arith.constant dense<0.000000e+00> : vector<1000x128xf32>
    %dot_general3A_24 = tpu.matmul %max3A_19, %get3A_22, %dot_general3A_23 {dimension_numbers = #tpu.dot_dimension_numbers<[1], [0], [0], [1], [0, 0, 1, 1], [], []>, transpose_lhs_hint = false} : vector<1000x128xf32>, vector<128x128xf32>, vector<1000x128xf32> -> vector<1000x128xf32>
    %get3A_25 = arith.constant 0 : index
    %get3A_26 = arith.constant 0 : index
    %get3A_27 = vector.load %arg7[%get3A_25, %get3A_26] : memref<1x128xf32, #tpu.memory_space<vmem>>, vector<1x128xf32>
    %add3A_28 = vector.broadcast %get3A_27 : vector<1x128xf32> to vector<1000x128xf32>
    %add3A_29 = arith.addf %dot_general3A_24, %add3A_28 : vector<1000x128xf32>
    %max3A_30 = arith.constant 0.000000e+00 : f32
    %max3A_31 = vector.broadcast %max3A_30 : f32 to vector<1000x128xf32>
    %max3A_32 = arith.maximumf %add3A_29, %max3A_31 : vector<1000x128xf32>
    %get3A_33 = arith.constant 0 : index
    %get3A_34 = arith.constant 0 : index
    %get3A_35 = arith.constant 0 : index
    %get3A_36 = vector.load %arg8[%get3A_33, %get3A_34, %get3A_35] : memref<1x1x1000xi32, #tpu.memory_space<vmem>>, vector<1x1x1000xi32>
    %get3A_37 = vector.shape_cast %get3A_36 : vector<1x1x1000xi32> to vector<1x1000xi32>
    %iota3A = tpu.iota {dimensions = array<i32: 0>} : vector<64x1000xi32>
    %broadcast_in_dim3A = vector.shape_cast %get3A_37 : vector<1x1000xi32> to vector<1x1000xi32>
    %broadcast_in_dim3A_38 = vector.broadcast %broadcast_in_dim3A : vector<1x1000xi32> to vector<64x1000xi32>
    %eq3A = arith.cmpi eq, %iota3A, %broadcast_in_dim3A_38 : vector<64x1000xi32>
    %convert_element_type3A = arith.extui %eq3A : vector<64x1000xi1> to vector<64x1000xi32>
    %convert_element_type3A_39 = arith.sitofp %convert_element_type3A : vector<64x1000xi32> to vector<64x1000xf32>
    %dot_general3A_40 = arith.constant dense<0.000000e+00> : vector<64x128xf32>
    %dot_general3A_41 = tpu.matmul %convert_element_type3A_39, %max3A_32, %dot_general3A_40 {dimension_numbers = #tpu.dot_dimension_numbers<[1], [0], [0], [1], [0, 0, 1, 1], [], []>, precision = #tpu.contract_precision<fp32>, transpose_lhs_hint = false} : vector<64x1000xf32>, vector<1000x128xf32>, vector<64x128xf32> -> vector<64x128xf32>
    %reduce_sum3A = arith.constant dense<0.000000e+00> : vector<64xf32>
    %reduce_sum3A_42 = vector.multi_reduction <add>, %convert_element_type3A_39, %reduce_sum3A [1] : vector<64x1000xf32> to vector<64xf32>
    %broadcast_in_dim3A_43 = vector.shape_cast %reduce_sum3A_42 : vector<64xf32> to vector<64x1xf32>
    %broadcast_in_dim3A_44 = vector.shape_cast %broadcast_in_dim3A_43 : vector<64x1xf32> to vector<64x1xf32>
    %broadcast_in_dim3A_45 = vector.broadcast %broadcast_in_dim3A_44 : vector<64x1xf32> to vector<64x128xf32>
    %eq3A_46 = arith.constant 0 : i32
    %eq3A_47 = arith.cmpi eq, %arg0, %eq3A_46 : i32
    %convert_element_type3A_48 = arith.extui %eq3A_47 : i1 to i32
    %cond3A = arith.constant 0 : i32
    %cond3A_49 = arith.cmpi ne, %convert_element_type3A_48, %cond3A : i32
    scf.if %cond3A_49 {
      %swap3A = arith.constant 0 : index
      %swap3A_59 = arith.constant 0 : index
      %swap3A_60 = vector.load %arg14[%swap3A, %swap3A_59] : memref<64x128xf32, #tpu.memory_space<vmem>>, vector<64x128xf32>
      tpu.vector_store %arg14[%swap3A, %swap3A_59], %dot_general3A_41 {strides = array<i32>} : memref<64x128xf32, #tpu.memory_space<vmem>>, vector<64x128xf32>,
      %swap3A_61 = arith.constant 0 : index
      %swap3A_62 = arith.constant 0 : index
      %swap3A_63 = vector.load %arg15[%swap3A_61, %swap3A_62] : memref<64x128xf32, #tpu.memory_space<vmem>>, vector<64x128xf32>
      tpu.vector_store %arg15[%swap3A_61, %swap3A_62], %broadcast_in_dim3A_45 {strides = array<i32>} : memref<64x128xf32, #tpu.memory_space<vmem>>, vector<64x128xf32>,
    } else {
    }
    %gt3A = arith.constant 0 : i32
    %gt3A_50 = arith.cmpi sgt, %arg0, %gt3A : i32
    %convert_element_type3A_51 = arith.extui %gt3A_50 : i1 to i32
    %cond3A_52 = arith.constant 0 : i32
    %cond3A_53 = arith.cmpi ne, %convert_element_type3A_51, %cond3A_52 : i32
    scf.if %cond3A_53 {
      %get3A_59 = arith.constant 0 : index
      %get3A_60 = arith.constant 0 : index
      %get3A_61 = vector.load %arg14[%get3A_59, %get3A_60] : memref<64x128xf32, #tpu.memory_space<vmem>>, vector<64x128xf32>
      %add3A_62 = arith.addf %get3A_61, %dot_general3A_41 : vector<64x128xf32>
      %swap3A = arith.constant 0 : index
      %swap3A_63 = arith.constant 0 : index
      %swap3A_64 = vector.load %arg14[%swap3A, %swap3A_63] : memref<64x128xf32, #tpu.memory_space<vmem>>, vector<64x128xf32>
      tpu.vector_store %arg14[%swap3A, %swap3A_63], %add3A_62 {strides = array<i32>} : memref<64x128xf32, #tpu.memory_space<vmem>>, vector<64x128xf32>,
      %get3A_65 = arith.constant 0 : index
      %get3A_66 = arith.constant 0 : index
      %get3A_67 = vector.load %arg15[%get3A_65, %get3A_66] : memref<64x128xf32, #tpu.memory_space<vmem>>, vector<64x128xf32>
      %add3A_68 = arith.addf %get3A_67, %broadcast_in_dim3A_45 : vector<64x128xf32>
      %swap3A_69 = arith.constant 0 : index
      %swap3A_70 = arith.constant 0 : index
      %swap3A_71 = vector.load %arg15[%swap3A_69, %swap3A_70] : memref<64x128xf32, #tpu.memory_space<vmem>>, vector<64x128xf32>
      tpu.vector_store %arg15[%swap3A_69, %swap3A_70], %add3A_68 {strides = array<i32>} : memref<64x128xf32, #tpu.memory_space<vmem>>, vector<64x128xf32>,
    } else {
    }
    %eq3A_54 = arith.constant 9 : i32
    %eq3A_55 = arith.cmpi eq, %arg0, %eq3A_54 : i32
    %convert_element_type3A_56 = arith.extui %eq3A_55 : i1 to i32
    %cond3A_57 = arith.constant 0 : i32
    %cond3A_58 = arith.cmpi ne, %convert_element_type3A_56, %cond3A_57 : i32
    scf.if %cond3A_58 {
      %get3A_59 = arith.constant 0 : index
      %get3A_60 = arith.constant 0 : index
      %get3A_61 = vector.load %arg14[%get3A_59, %get3A_60] : memref<64x128xf32, #tpu.memory_space<vmem>>, vector<64x128xf32>
      %get3A_62 = arith.constant 0 : index
      %get3A_63 = arith.constant 0 : index
      %get3A_64 = vector.load %arg15[%get3A_62, %get3A_63] : memref<64x128xf32, #tpu.memory_space<vmem>>, vector<64x128xf32>
      %max3A_65 = arith.constant 1.000000e+00 : f32
      %max3A_66 = vector.broadcast %max3A_65 : f32 to vector<64x128xf32>
      %max3A_67 = arith.maximumf %get3A_64, %max3A_66 : vector<64x128xf32>
      %div3A = arith.divf %get3A_61, %max3A_67 : vector<64x128xf32>
      %get3A_68 = arith.constant 0 : index
      %get3A_69 = arith.constant 0 : index
      %get3A_70 = vector.load %arg9[%get3A_68, %get3A_69] : memref<128x128xf32, #tpu.memory_space<vmem>>, vector<128x128xf32>
      %dot_general3A_71 = arith.constant dense<0.000000e+00> : vector<64x128xf32>
      %dot_general3A_72 = tpu.matmul %div3A, %get3A_70, %dot_general3A_71 {dimension_numbers = #tpu.dot_dimension_numbers<[1], [0], [0], [1], [0, 0, 1, 1], [], []>, transpose_lhs_hint = false} : vector<64x128xf32>, vector<128x128xf32>, vector<64x128xf32> -> vector<64x128xf32>
      %get3A_73 = arith.constant 0 : index
      %get3A_74 = arith.constant 0 : index
      %get3A_75 = vector.load %arg10[%get3A_73, %get3A_74] : memref<1x128xf32, #tpu.memory_space<vmem>>, vector<1x128xf32>
      %add3A_76 = vector.broadcast %get3A_75 : vector<1x128xf32> to vector<64x128xf32>
      %add3A_77 = arith.addf %dot_general3A_72, %add3A_76 : vector<64x128xf32>
      %max3A_78 = arith.constant 0.000000e+00 : f32
      %max3A_79 = vector.broadcast %max3A_78 : f32 to vector<64x128xf32>
      %max3A_80 = arith.maximumf %add3A_77, %max3A_79 : vector<64x128xf32>
      %get3A_81 = arith.constant 0 : index
      %get3A_82 = arith.constant 0 : index
      %get3A_83 = vector.load %arg11[%get3A_81, %get3A_82] : memref<128x128xf32, #tpu.memory_space<vmem>>, vector<128x128xf32>
      %dot_general3A_84 = arith.constant dense<0.000000e+00> : vector<64x128xf32>
      %dot_general3A_85 = tpu.matmul %max3A_80, %get3A_83, %dot_general3A_84 {dimension_numbers = #tpu.dot_dimension_numbers<[1], [0], [0], [1], [0, 0, 1, 1], [], []>, transpose_lhs_hint = false} : vector<64x128xf32>, vector<128x128xf32>, vector<64x128xf32> -> vector<64x128xf32>
      %get3A_86 = arith.constant 0 : index
      %get3A_87 = arith.constant 0 : index
      %get3A_88 = vector.load %arg12[%get3A_86, %get3A_87] : memref<1x128xf32, #tpu.memory_space<vmem>>, vector<1x128xf32>
      %add3A_89 = vector.broadcast %get3A_88 : vector<1x128xf32> to vector<64x128xf32>
      %add3A_90 = arith.addf %dot_general3A_85, %add3A_89 : vector<64x128xf32>
      %swap3A = arith.constant 0 : index
      %swap3A_91 = arith.constant 0 : index
      %swap3A_92 = vector.load %arg13[%swap3A, %swap3A_91] : memref<64x128xf32, #tpu.memory_space<vmem>>, vector<64x128xf32>
      tpu.vector_store %arg13[%swap3A, %swap3A_91], %add3A_90 {strides = array<i32>} : memref<64x128xf32, #tpu.memory_space<vmem>>, vector<64x128xf32>,
    } else {
    }
    return
  }
  func.func @transform_0(%arg0: i32) -> (i32, i32) {
    %c0_i32 = arith.constant 0 : i32
    %c0_i32_0 = arith.constant 0 : i32
    return %arg0, %c0_i32 : i32, i32
  }
  func.func @transform_1(%arg0: i32) -> (i32, i32) {
    %c0_i32 = arith.constant 0 : i32
    %c0_i32_0 = arith.constant 0 : i32
    return %arg0, %c0_i32 : i32, i32
  }
  func.func @transform_2(%arg0: i32) -> (i32, i32) {
    %c0_i32 = arith.constant 0 : i32
    %c0_i32_0 = arith.constant 0 : i32
    return %arg0, %c0_i32 : i32, i32
  }
  func.func @transform_3(%arg0: i32) -> (i32, i32) {
    %c0_i32 = arith.constant 0 : i32
    %c0_i32_0 = arith.constant 0 : i32
    %c0_i32_1 = arith.constant 0 : i32
    return %c0_i32, %c0_i32_0 : i32, i32
  }
  func.func @transform_4(%arg0: i32) -> (i32, i32) {
    %c0_i32 = arith.constant 0 : i32
    %c0_i32_0 = arith.constant 0 : i32
    %c0_i32_1 = arith.constant 0 : i32
    return %c0_i32, %c0_i32_0 : i32, i32
  }
  func.func @transform_5(%arg0: i32) -> (i32, i32) {
    %c0_i32 = arith.constant 0 : i32
    %c0_i32_0 = arith.constant 0 : i32
    %c0_i32_1 = arith.constant 0 : i32
    return %c0_i32, %c0_i32_0 : i32, i32
  }
  func.func @transform_6(%arg0: i32) -> (i32, i32) {
    %c0_i32 = arith.constant 0 : i32
    %c0_i32_0 = arith.constant 0 : i32
    %c0_i32_1 = arith.constant 0 : i32
    return %c0_i32, %c0_i32_0 : i32, i32
  }
  func.func @transform_7(%arg0: i32) -> (i32, i32, i32) {
    %c0_i32 = arith.constant 0 : i32
    %c0_i32_0 = arith.constant 0 : i32
    %c0_i32_1 = arith.constant 0 : i32
    return %arg0, %c0_i32, %c0_i32_0 : i32, i32, i32
  }
  func.func @transform_8(%arg0: i32) -> (i32, i32) {
    %c0_i32 = arith.constant 0 : i32
    %c0_i32_0 = arith.constant 0 : i32
    %c0_i32_1 = arith.constant 0 : i32
    return %c0_i32, %c0_i32_0 : i32, i32
  }
  func.func @transform_9(%arg0: i32) -> (i32, i32) {
    %c0_i32 = arith.constant 0 : i32
    %c0_i32_0 = arith.constant 0 : i32
    %c0_i32_1 = arith.constant 0 : i32
    return %c0_i32, %c0_i32_0 : i32, i32
  }
  func.func @transform_10(%arg0: i32) -> (i32, i32) {
    %c0_i32 = arith.constant 0 : i32
    %c0_i32_0 = arith.constant 0 : i32
    %c0_i32_1 = arith.constant 0 : i32
    return %c0_i32, %c0_i32_0 : i32, i32
  }
  func.func @transform_11(%arg0: i32) -> (i32, i32) {
    %c0_i32 = arith.constant 0 : i32
    %c0_i32_0 = arith.constant 0 : i32
    %c0_i32_1 = arith.constant 0 : i32
    return %c0_i32, %c0_i32_0 : i32, i32
  }
  func.func @transform_12(%arg0: i32) -> (i32, i32) {
    %c0_i32 = arith.constant 0 : i32
    %c0_i32_0 = arith.constant 0 : i32
    %c0_i32_1 = arith.constant 0 : i32
    return %c0_i32, %c0_i32_0 : i32, i32
  }
}

</mosaic_0001>

<sc_bundles>
// kernel: kernel.11.cloned.1.call-start
scs
__scs_entry_jumppad:
0x0: {  	(pc) =	sbr.rel $0x88, $3  }
0x1: {  	(tag) =	ssettag $0x0;
	lr =	simm.s32 $0x1  }
0x2: {  	[smem:$0x3F8A] =	sst lr;
	_ =	strace $0xD0000000  }
0x3: {  	_ = 	snop  }
0x4: {  	_ = 	snop  }
0x5: {  	_ = 	snop  }
0x6: {  	_ = 	snop  }
0x7: {  	_ = 	snop  }
__scs_overlays_trampoline_lowered:
0x8: {  	[smem:$0x3F99] =	sst s0  }
0x9: {  	[smem:$0x3F9A] =	sst s1  }
0xa: {  	[smem:$0x3F9B] =	sst s2  }
0xb: {  	[smem:$0x3F9C] =	sst s3  }
0xc: {  	[smem:$0x3F9D] =	sst s4  }
0xd: {  	[smem:$0x3F9E] =	sst s5  }
0xe: {  	[smem:$0x3F9F] =	sst s6  }
0xf: {  	[smem:$0x3FA0] =	sst s7  }
0x10: {  	[smem:$0x3FA1] =	sst s8  }
0x11: {  	[smem:$0x3FA2] =	sst s9;
	s0 =	simm.s32 @!p0 $0x0  }
0x12: {  	s1 =	sld [smem:$0x3F88];
	s0 =	simm.s32 @p0 $0x1  }
0x13: {  	[smem:$0x3FA3] =	sst s0;
	s0 =	simm.s32 @!p1 $0x0  }
0x14: {  	s2 =	sld [smem:$0x3F87];
	s0 =	simm.s32 @p1 $0x1  }
0x15: {  	[smem:$0x3FA4] =	sst s0;
	s0 =	simm.s32 @!p2 $0x0  }
0x16: {  	s3 =	sld [smem:$0x3FDB];
	s0 =	simm.s32 @p2 $0x1  }
0x17: {  	s4 =	simm.s32 $0x1BF5;
	[smem:$0x3FA6] =	sst s0  }
0x18: {  	s0 =	sld [smem:$0x3F89];
	_ =	swait.ge [sflag:s4], $0x0  }
0x19: {  	s7 =	sld [smem:$0x3F8A]  }
0x1a: {  	s8 =	sadd.s32 $0xFFFFE003, lr  }
0x1b: {  	s9 =	sadd.s32 $0xFFFFFEF7, lr;
	s5 =	simm.s32 $0xFFFFFFFF;
	p2 =	slt.u32 s8, $0xFFFFF086  }
0x1c: {  	p1 =	slt.u32 s9, $0xF7A;
	s5 =	simm.s32 @!p2 $0x0  }
0x1d: {  	s5 =	simm.s32 @p1 $0x1;
	p0 =	seq.s32 s7, s2  }
0x1e: {  	s7 =	smul.u32 @!p0 $0xF7A, s2;
	p2 =	seq.s32 @!p0 s5, $0x0  }
0x1f: {  	s9 =	smul.u32 $0xF7A, s1;
	s8 =	simm.s32 @!p0 $0x1BF5;
	p2 =	por !p2, p0  }
0x20: {  	[sflag:s8] =	ssyncset.s32 @!p0 $0xFFFFF086;
	s6 =	sadd.s32 @!p0 s3, s7;
	s7 =	simm.s32 @!p0 $0x108  }
0x21: {  	s3 =	sadd.s32 s3, s9;
	s6 =	sadd.s32 @!p0 $0x88, s6;
	s7 =	simm.s32 @p2 $0x1082  }
0x22: {  	[simem:s7], [sflag:s8] =	dma.local @!p0 [hbm:s6], $0xF7A  }
0x23: {  	s9 =	sor.u32 $0xD0000000, s2;
	s6 =	simm.s32 $0x108;
	_ =	swait.ge @!p0 [sflag:s8], $0x0  }
0x24: {  	s3 =	sadd.s32 $0x88, s3;
	s6 =	simm.s32 @!p1 $0x1082;
	[sflag:s4] =	ssyncset.s32 $0xFFFFF086  }
0x25: {  	[simem:s6], [sflag:s4] =	dma.local [hbm:s3], $0xF7A  }
0x26: {  	[smem:$0x3F8A] =	sst s1;
	(tag) =	ssettag s2;
	_ =	strace s9  }
0x27: {  	s1 =	sld [smem:$0x3F9A]  }
0x28: {  	s2 =	sld [smem:$0x3F9B]  }
0x29: {  	s4 =	sld [smem:$0x3F9D]  }
0x2a: {  	p0 =	seq.s32 s5, $0x0;
	s5 =	sld [smem:$0x3F9E]  }
0x2b: {  	s6 =	sld [smem:$0x3F9F]  }
0x2c: {  	s7 =	sld [smem:$0x3FA0]  }
0x2d: {  	s3 =	simm.s32 $0x108;
	s8 =	sld [smem:$0x3FA1]  }
0x2e: {  	s3 =	simm.s32 @!p0 $0x1082;
	s9 =	sld [smem:$0x3FA2]  }
0x2f: {  	lr =	sadd.s32 s0, s3;
	s0 =	sld [smem:$0x3F99]  }
0x30: {  	s3 =	sld [smem:$0x3F9C]  }
0x31: {  	[smem:$0x3FA5] =	sst s10  }
0x32: {  	s10 =	sld [smem:$0x3FA3];
	_ =	sdelay $0x3  }
0x33: {  	p0 =	seq.s32 s10, $0x1;
	s10 =	sld [smem:$0x3FA5];
	_ =	sdelay $0x3  }
0x34: {  	[smem:$0x3FA5] =	sst s10  }
0x35: {  	s10 =	sld [smem:$0x3FA4];
	_ =	sdelay $0x3  }
0x36: {  	p1 =	seq.s32 s10, $0x1;
	s10 =	sld [smem:$0x3FA5];
	_ =	sdelay $0x3  }
0x37: {  	[smem:$0x3FA5] =	sst s10  }
0x38: {  	s10 =	sld [smem:$0x3FA6]  }
0x39: {  	_ = 	snop;
	(pc) =	sbr.ind lr, $3  }
0x3a: {  	_ = 	snop  }
0x3b: {  	_ = 	snop  }
0x3c: {  	p2 =	seq.s32 s10, $0x1;
	s10 =	sld [smem:$0x3FA5]  }
0x3d: {  	_ =	shalt  }
0x3e: {  	_ =	shalt  }
0x3f: {  	_ =	shalt  }
0x40: {  	_ =	shalt  }
0x41: {  	_ =	shalt  }
0x42: {  	_ =	shalt  }
0x43: {  	_ =	shalt  }
0x44: {  	_ =	shalt  }
0x45: {  	_ =	shalt  }
0x46: {  	_ =	shalt  }
0x47: {  	_ =	shalt  }
0x48: {  	_ =	shalt  }
0x49: {  	_ =	shalt  }
0x4a: {  	_ =	shalt  }
0x4b: {  	_ =	shalt  }
0x4c: {  	_ =	shalt  }
0x4d: {  	_ =	shalt  }
0x4e: {  	_ =	shalt  }
0x4f: {  	_ =	shalt  }
0x50: {  	_ =	shalt  }
0x51: {  	_ =	shalt  }
0x52: {  	_ =	shalt  }
0x53: {  	_ =	shalt  }
0x54: {  	_ =	shalt  }
0x55: {  	_ =	shalt  }
0x56: {  	_ =	shalt  }
0x57: {  	_ =	shalt  }
0x58: {  	_ =	shalt  }
0x59: {  	_ =	shalt  }
0x5a: {  	_ =	shalt  }
0x5b: {  	_ =	shalt  }
0x5c: {  	_ =	shalt  }
0x5d: {  	_ =	shalt  }
0x5e: {  	_ =	shalt  }
0x5f: {  	_ =	shalt  }
0x60: {  	_ =	shalt  }
0x61: {  	_ =	shalt  }
0x62: {  	_ =	shalt  }
0x63: {  	_ =	shalt  }
0x64: {  	_ =	shalt  }
0x65: {  	_ =	shalt  }
0x66: {  	_ =	shalt  }
0x67: {  	_ =	shalt  }
0x68: {  	_ =	shalt  }
0x69: {  	_ =	shalt  }
0x6a: {  	_ =	shalt  }
0x6b: {  	_ =	shalt  }
0x6c: {  	_ =	shalt  }
0x6d: {  	_ =	shalt  }
0x6e: {  	_ =	shalt  }
0x6f: {  	_ =	shalt  }
0x70: {  	_ =	shalt  }
0x71: {  	_ =	shalt  }
0x72: {  	_ =	shalt  }
0x73: {  	_ =	shalt  }
0x74: {  	_ =	shalt  }
0x75: {  	_ =	shalt  }
0x76: {  	_ =	shalt  }
0x77: {  	_ =	shalt  }
0x78: {  	_ =	shalt  }
0x79: {  	_ =	shalt  }
0x7a: {  	_ =	shalt  }
0x7b: {  	_ =	shalt  }
0x7c: {  	_ =	shalt  }
0x7d: {  	_ =	shalt  }
0x7e: {  	_ =	shalt  }
0x7f: {  	_ =	shalt  }
0x80: {  	_ =	shalt  }
0x81: {  	_ =	shalt  }
0x82: {  	_ =	shalt  }
0x83: {  	_ =	shalt  }
0x84: {  	_ =	shalt  }
0x85: {  	_ =	shalt  }
0x86: {  	_ =	shalt  }
0x87: {  	_ =	shalt  }
.Lfunc_end0:
.L_simem_size_0:
called_computation.1_lowered:
.L_overlay_start_0:
0x88: {  	s2 =	sld [smem:$0x3FD9]  }
0x89: {  	s3 =	sld [smem:$0x3FFE];
	_ =	sdelay $0x1  }
0x8a: {  	s1 =	srdreg.scid  }
0x8b: {  	s0 =	sand.u32 $0x1, s1  }
0x8c: {  	s16 =	sshll.u32 s0, $0xA;
	s2 =	sadd.s32 s3, s2  }
0x8d: {  	s2 =	sadd.s32 s2, s16  }
0x8e: {  	[smem:$0x3FB1] =	sst s2  }
0x8f: {  	_ = 	snop  }
0x90: {  	(tm) =	ssettm $0x1  }
0x91: {  	s17 =	sld [smem:$0x3FFB];
	_ =	sdelay $0x3  }
0x92: {  	_ =	strace s17  }
0x93: {  	s2 =	sld [smem:$0x3FFC];
	_ =	sdelay $0x3  }
0x94: {  	_ =	strace s2  }
0x95: {  	s2 =	sld [smem:$0x3FFD];
	_ =	sdelay $0x3  }
0x96: {  	_ =	strace s2  }
0x97: {  	_ =	strace $0x8FFFFFFF  }
0x98: {  	s18 =	sld [smem:$0x3FDB];
	_ =	sdelay $0x1  }
0x99: {  	s19 =	simm.s32 $_scs_section_size  }
0x9a: {  	s4 =	simm.s32 $_size__tile_overlayer_lowered;
	s5 =	simm.s32 $_tile_overlayer_lowered  }
0x9b: {  	s22 =	simm.s32 $0x1BFF;
	s21 =	sshll.u32 s5, $0x1;
	s2 =	sadd.s32 s19, s18  }
0x9c: {  	s6 =	simm.s32 $0x0;
	s20 =	sshll.u32 s4, $0x1;
	s4 =	sadd.s32 s21, s2  }
0x9d: {  	[timem:s6], [sflag:s22] =	dma.local [hbm:s4], s20  }
0x9e: {  	_ =	swait.ge [sflag:s22], s20  }
0x9f: {  	s3 =	ssub.s32 $0x0, s20;
	[sflag:s22] =	ssyncset.done $0x0  }
0xa0: {  	[sflag:s22] =	ssyncadd.s32 s3;
	_ =	sdelay $0x1  }
0xa1: {  	s23 =	simm.s32 $0x1B8B  }
0xa2: {  	_ =	swait.ge [sflag:s23], $0x1  }
0xa3: {  	[sflag:s23] =	ssyncset.done $0x0  }
0xa4: {  	s25 =	simm.s32 $0x1B8E;
	s24 =	sld [smem:$0x3FFE];
	[sflag:s23] =	ssyncadd.s32 $0xFFFFFFFF  }
0xa5: {  	s26 =	simm.s32 $execute0_lowered;
	[smem:$0x3FD2] =	sst s25  }
0xa6: {  	s4 =	sshll.u32 s26, $0x1;
	_ =	strace $0x80000049;
	[dreg:$0x1] =	wrdreg $0xFFFFFFFF  }
0xa7: {  	s28 =	simm.s32 $_size_execute0_lowered;
	s2 =	sadd.s32 s2, s4;
	[dreg:$0x0] =	wrdreg $0x0  }
0xa8: {  	s4 =	sshll.u32 s28, $0x1;
	[dreg:$0x2] =	wrdreg s2  }
0xa9: {  	[dreg:$0x3] =	wrdreg s4  }
0xaa: {  	[dreg:$0x4] =	wrdreg $0xC0  }
0xab: {  	_ =	task [dreg:s6], $0x5FFFF  }
0xac: {  	[dreg:$0x1] =	wrdreg $0xFFFFFFFF  }
0xad: {  	[dreg:$0x0] =	wrdreg $0x60  }
0xae: {  	[dreg:$0x2] =	wrdreg s24  }
0xaf: {  	[dreg:$0x3] =	wrdreg $0xA8000  }
0xb0: {  	[dreg:$0x4] =	wrdreg $0x9  }
0xb1: {  	_ =	task.clear_ibuf [dreg:s6], $0x5FFFF;
	_ =	strace $0x90000049  }
0xb2: {  	s29 =	simm.s32 $0x9;
	_ =	strace $0x8000004B  }
0xb3: {  	_ =	swait.ge [sflag:s29], $0x1  }
0xb4: {  	[sflag:s29] =	ssyncadd.s32 $0xFFFFFFFF  }
0xb5: {  	_ =	strace $0x9000004B  }
0xb6: {  	_ =	sfence  }
0xb7: {  	s30 =	sld [smem:$0x0];
	_ =	sdelay $0x2  }
0xb8: {  	s31 =	sshll.u32 s1, $0xD;
	s1 =	sshrl.u32 s1, $0x2  }
0xb9: {  	s3 =	sand.u32 $0x4000, s31;
	s1 =	sadd.s32 s1, s30  }
0xba: {  	s0 =	sor.u32 s3, s0;
	s1 =	sshll.u32 s1, $0x11  }
0xbb: {  	s0 =	sor.u32 s1, s0  }
0xbc: {  	s0 =	sadd.s32 $0x8F2B, s0  }
0xbd: {  	[sflag:s0] =	ssyncadd.remote.s32 $0x1  }
0xbe: {  	_ =	sfence.sel $0xFFFF  }
0xbf: {  	[dreg:$0x0] =	wrdreg $0xFFFFFFFF;
	(pc) =	sbr.abs _section_cstart, $3  }
0xc0: {  	[dreg:$0x1] =	wrdreg $0xFFFFFFFF  }
0xc1: {  	_ =	task.clear_ibuf [dreg:s6], $0x2FFFF;
	_ =	strace $0x9FFFFFFF  }
0xc2: {  	(tm) =	ssettm $0x7FFFFFFF  }
0xc3: {  	_ =	shalt  }
tec
execute0_lowered:
.L_overlay_start_1:
0x0: {  	(tag) =	ssettag $0x1  }
0x1: {  	s5 =	rddreg [dreg:$0x0]  }
0x2: {  	s1 =	rddreg [dreg:$0x1]  }
0x3: {  	s0 =	rddreg [dreg:$0x2];
	s3 =	simm.s32 $0x0;
	s4 =	srdreg.scid  }
0x4: {  	s2 =	stileid.u32;
	s14 =	simm.s32 $0x4000;
	s15 =	simm.s32 $0x50  }
0x5: {  	s16 =	simm.s32 $0x1;
	s18 =	simm.s32 $0x0;
	[smem:$0x7FF] =	sst s3  }
0x6: {  	s7 =	sand.u32 $0x1, s4;
	s6 =	sshll.u32 s2, $0xC;
	s11 =	smul.u32 $0x50000, s2  }
0x7: {  	s4 =	sadd.s32 $0x24E00, s5;
	p0 =	seq.s32 s2, $0xF;
	s13 =	smul.u32 $0x14000, s2  }
0x8: {  	s17 =	sshll.u32 s2, $0x6;
	_ =	strace $0x8000004A;
	s8 =	sshll.u32 s7, $0xB  }
0x9: {  	s31 =	ssub.s32 $0x2, s7;
	s12 =	smul.u32 $0x138800, s7;
	s17 =	sor.u32 $0x1C02, s17  }
0xa: {  	s6 =	sor.u32 s8, s6;
	s10 =	sshrl.u32 s31, $0x1;
	s11 =	sshrl.u32 s11, $0x2  }
0xb: {  	s9 =	sadd.s32 s6, s5;
	s5 =	sadd.s32 $0x4C000, s5;
	s6 =	simm.s32 $0x5  }
0xc: {  	s10 =	ssub.s32 s31, s10;
	s6 =	simm.s32 @!p0 $0x8;
	s7 =	sadd.s32 $0x4E00, s9  }
0xd: {  	s8 =	sadd.s32 $0x14E00, s9;
	s9 =	smax.u32 s10, $0x1;
	s10 =	sadd.s32 s11, s1  }
0xe: {  	v0 =	vimm.f32 $0.0e+00;
	s11 =	sadd.s32 s13, s12;
	s12 =	simm.s32 $0x8000;
	s13 =	simm.s32 $0x2  }
.LBB2_1:
0xf: {  	s19 =	sand.u32 $0xFE00, s3  }
0x10: {  	s20 =	sand.u32 $0x70, s3;
	s21 =	sshrl.u32 s19, $0x2  }
0x11: {  	s19 =	simm.s32 $0x40;
	s21 =	sor.u32 s20, s21;
	s20 =	simm.s32 $0x0  }
.LBB2_2:
0x12: {  	p0 =	sne.s32 s19, $0x9FC0  }
0x13: {  	[tilespmem:s21+$0x8000] =	vst v0;
	s20 =	sadd.s32 $0x10, s20;
	s21 =	smov.u32 s19;
	s19 =	sadd.s32 $0x40, s19  }
.Ltmp0:
0x14: {  	(pc) =	sbr.rel @p0 .LBB2_2-.Ltmp0, $4  }
0x15: {  	_ = 	snop  }
0x16: {  	s21 =	sand.u32 $0xFE00, s21  }
0x17: {  	s22 =	sand.u32 $0x70, s20;
	s21 =	sshrl.u32 s21, $0x2  }
0x18: {  	s21 =	sor.u32 s22, s21  }
0x19: {  	p0 =	sne.s32 s6, $0x1  }
.Ltmp1:
0x1a: {  	_ = 	snop;
	(pc) =	sbr.rel @!p0 .LBB2_5-.Ltmp1, $4  }
0x1b: {  	[tilespmem:s21+$0x8000] =	vst v0  }
0x1c: {  	[spmem:s10] =	stream.linear.scatter [tilespmem:s12], [sflag:$0x2], $0x2800, $0x38;
	[tilespmem:$0x1E080] =	vst v63  }
0x1d: {  	_ =	swait.ge [sflag:s13], $0x2800  }
0x1e: {  	s19 =	sadd.s32 $0xFFFFFFFF, s6;
	s20 =	smov.u32 s10;
	[sflag:s13] =	ssyncset.done $0x0  }
.LBB2_4:
0x1f: {  	p1 =	sne.s32 s19, $0x1;
	[sflag:s13] =	ssyncadd.s32 $0xFFFFD800;
	s20 =	sadd.s32 $0x2800, s20  }
.Ltmp2:
0x20: {  	s19 =	sadd.s32 $0xFFFFFFFF, s19;
	(pc) =	sbr.rel @p1 .LBB2_4-.Ltmp2, $4  }
0x21: {  	_ = 	snop  }
0x22: {  	[spmem:s20] =	stream.linear.scatter [tilespmem:s12], [sflag:$0x2], $0x2800, $0x38;
	[tilespmem:$0x1E080] =	vst v63  }
0x23: {  	_ =	swait.ge [sflag:s13], $0x2800  }
0x24: {  	[sflag:s13] =	ssyncset.done $0x0  }
.LBB2_5:
0x25: {  	[sflag:s13] =	ssyncadd.s32 $0xFFFFD800;
	s19 =	simm.s32 $0x0  }
0x26: {  	[tilespmem:s19], [sflag:$0x2] =	stream.linear.gather [hbm4b:s7+s19], $0x3E80, $0x38;
	[tilespmem:$0x1E080] =	vst v63  }
0x27: {  	_ =	swait.ge [sflag:s13], $0x3E80  }
0x28: {  	[sflag:s13] =	ssyncset.done $0x0  }
0x29: {  	[sflag:s13] =	ssyncadd.s32 $0xFFFFC180  }
0x2a: {  	[tilespmem:s14], [sflag:$0x2] =	stream.linear.gather [hbm4b:s8+s19], $0x3E80, $0x38;
	[tilespmem:$0x1E080] =	vst v63  }
0x2b: {  	_ =	swait.ge [sflag:s13], $0x3E80  }
0x2c: {  	[sflag:s13] =	ssyncset.done $0x0  }
0x2d: {  	[sflag:s13] =	ssyncadd.s32 $0xFFFFC180  }
0x2e: {  	s30 =	simm.s32 $0x0;
	[bflag:$0x0] =	sbarrier.arrive $0xFFFF  }
0x2f: {  	[tilespmem:s12], [sflag:$0x1] =	stream.indirect.gather [hbm4b:s4+s15], $0x80, s30, s15, $0xb8;
	[tilespmem:$0x1E080] =	vst v63  }
0x30: {  	_ =	swait.ge [sflag:s16], $0x2800  }
0x31: {  	[sflag:s16] =	ssyncset.done $0x0  }
0x32: {  	s31 =	simm.s32 $0x4000;
	[sflag:s16] =	ssyncadd.s32 $0xFFFFD800  }
0x33: {  	[spmem:s1] =	stream.indirect.scatter.add.f32 [tilespmem:s12], [sflag:$0x2], $0x80, s31, s15, $0xb8;
	[tilespmem:$0x1E080] =	vst v63  }
0x34: {  	_ =	swait.ge [sflag:s13], $0x2800  }
0x35: {  	s20 =	simm.s32 $0x400;
	s19 =	simm.s32 $0x200;
	[sflag:s13] =	ssyncset.done $0x0  }
.LBB2_6:
0x36: {  	s21 =	sshra.s32 s19, $0x2  }
0x37: {  	[sflag:s13] =	ssyncadd.s32 $0xFFFFD800;
	s19 =	smov.u32 s20;
	s22 =	sadd.s32 $0x200, s20  }
0x38: {  	[tilespmem:s12], [sflag:$0x1] =	stream.indirect.gather [hbm4b:s4+s15], $0x80, s21, s15, $0xb8;
	[tilespmem:$0x1E080] =	vst v63  }
0x39: {  	p1 =	sne.s32 s20, $0xF800;
	_ =	swait.ge [sflag:s16], $0x2800  }
.Ltmp3:
0x3a: {  	[sflag:s16] =	ssyncset.done $0x0;
	(pc) =	sbr.rel @p1 .LBB2_6-.Ltmp3, $4  }
0x3b: {  	s20 =	sadd.s32 $0x4000, s21;
	[sflag:s16] =	ssyncadd.s32 $0xFFFFD800  }
0x3c: {  	[spmem:s1] =	stream.indirect.scatter.add.f32 [tilespmem:s12], [sflag:$0x2], $0x80, s20, s15, $0xb8;
	[tilespmem:$0x1E080] =	vst v63  }
0x3d: {  	_ =	swait.ge [sflag:s13], $0x2800  }
0x3e: {  	s20 =	smov.u32 s22;
	[sflag:s13] =	ssyncset.done $0x0  }
0x3f: {  	s19 =	sshra.s32 s19, $0x2;
	[sflag:s13] =	ssyncadd.s32 $0xFFFFD800  }
0x40: {  	[tilespmem:s12], [sflag:$0x1] =	stream.indirect.gather [hbm4b:s4+s15], $0x80, s19, s15, $0xb8;
	[tilespmem:$0x1E080] =	vst v63  }
0x41: {  	_ =	swait.ge [sflag:s16], $0x2800  }
0x42: {  	[sflag:s16] =	ssyncset.done $0x0  }
0x43: {  	s19 =	sadd.s32 $0x4000, s19;
	[sflag:s16] =	ssyncadd.s32 $0xFFFFD800  }
0x44: {  	[spmem:s1] =	stream.indirect.scatter.add.f32 [tilespmem:s12], [sflag:$0x2], $0x80, s19, s15, $0xb8;
	[tilespmem:$0x1E080] =	vst v63  }
0x45: {  	_ =	swait.ge [sflag:s13], $0x2800  }
.Ltmp4:
0x46: {  	[sflag:s13] =	ssyncset.done $0x0;
	(pc) =	sbr.rel @!p0 .LBB2_9-.Ltmp4, $4  }
0x47: {  	s31 =	sshrl.u32 s11, $0x3;
	s20 =	sshrl.u32 s10, $0x3;
	[sflag:s13] =	ssyncadd.s32 $0xFFFFD800  }
0x48: {  	s21 =	smov.u32 s10;
	s19 =	sadd.s32 s5, s31;
	[bflag:$0x0] =	sbarrier.arrive $0xFFFF  }
0x49: {  	[hbm:s19], [sflag:s17] =	dma.local [spmem:s20], $0x500  }
0x4a: {  	s19 =	sadd.s32 $0xFFFFFFFF, s6;
	s20 =	sadd.s32 $0x2800, s11;
	_ =	swait.ge [sflag:s13], $0x500  }
.LBB2_8:
0x4b: {  	s22 =	sshrl.u32 s20, $0x3;
	[sflag:s13] =	ssyncset.done $0x0  }
0x4c: {  	s21 =	sadd.s32 $0x2800, s21;
	p0 =	sne.s32 s19, $0x1;
	s22 =	sadd.s32 s5, s22  }
.Ltmp5:
0x4d: {  	s23 =	sshrl.u32 s21, $0x3;
	[sflag:s13] =	ssyncadd.s32 $0xFFFFFB00;
	(pc) =	sbr.rel @p0 .LBB2_8-.Ltmp5, $3  }
0x4e: {  	[hbm:s22], [sflag:s17] =	dma.local [spmem:s23], $0x500  }
0x4f: {  	s19 =	sadd.s32 $0xFFFFFFFF, s19;
	_ =	sdelay $0x1  }
0x50: {  	s20 =	sadd.s32 $0x2800, s20;
	_ =	swait.ge [sflag:s13], $0x500  }
.LBB2_9:
0x51: {  	s18 =	sadd.s32 $0x1, s18  }
0x52: {  	p0 =	sne.s32 s18, s9  }
.Ltmp6:
0x53: {  	_ = 	snop;
	(pc) =	sbr.rel @p0 .LBB2_1-.Ltmp6, $3  }
0x54: {  	_ =	sdelay $0x1  }
0x55: {  	[sflag:s13] =	ssyncset.done $0x0  }
0x56: {  	[sflag:s13] =	ssyncadd.s32 $0xFFFFFB00  }
0x57: {  	_ =	sfence.sel $0x180000  }
0x58: {  	[bflag:$0x0] =	sbarrier.arrive $0xFFFF  }
0x59: {  	p0 =	sne.s32 s2, $0x0;
	_ =	strace $0x9000004A  }
0x5a: {  	s0 =	sadd.s32 @!p0 $0x100000, s0;
	[bflag:$0x2] =	sbarrier.arrive $0xFFFF  }
0x5b: {  	[sflag:s0] =	ssyncadd.tile.s32 @!p0 $0x1;
	_ =	shalt  }
.Lfunc_end2:
_tile_overlayer_lowered:
.L_overlay_start_2:
0x5c: {  	(tag) =	ssettag $0x2  }
0x5d: {  	s0 =	rddreg [dreg:$0x0];
	s2 =	stileid.u32  }
0x5e: {  	s1 =	rddreg [dreg:$0x1];
	p0 =	sne.s32 s2, $0x0  }
0x5f: {  	s3 =	rddreg [dreg:$0x2];
	[bflag:$0x3] =	sbarrier.arrive $0xFFFF;
	s2 =	simm.s32 @!p0 $0x1C02  }
0x60: {  	[timem:s3], [sflag:s2] =	dma.local @!p0 [hbm:s0], s1  }
0x61: {  	s0 =	simm.s32 @!p0 $0x2  }
0x62: {  	_ =	swait.ge @!p0 [sflag:s0], s1  }
0x63: {  	s1 =	ssub.s32 @!p0 $0x0, s1;
	[sflag:s0] =	ssyncset.done @!p0 $0x0  }
0x64: {  	[sflag:s0] =	ssyncadd.s32 @!p0 s1  }
0x65: {  	[bflag:$0x3] =	sbarrier.arrive $0xFFFF  }
0x66: {  	_ =	shalt  }

// kernel: kernel.14.cloned.1.call-start
scs
__scs_entry_jumppad:
0x0: {  	(pc) =	sbr.rel $0x88, $3  }
0x1: {  	(tag) =	ssettag $0x0;
	lr =	simm.s32 $0x1  }
0x2: {  	[smem:$0x3F8A] =	sst lr;
	_ =	strace $0xD0000000  }
0x3: {  	_ = 	snop  }
0x4: {  	_ = 	snop  }
0x5: {  	_ = 	snop  }
0x6: {  	_ = 	snop  }
0x7: {  	_ = 	snop  }
__scs_overlays_trampoline_lowered:
0x8: {  	[smem:$0x3F99] =	sst s0  }
0x9: {  	[smem:$0x3F9A] =	sst s1  }
0xa: {  	[smem:$0x3F9B] =	sst s2  }
0xb: {  	[smem:$0x3F9C] =	sst s3  }
0xc: {  	[smem:$0x3F9D] =	sst s4  }
0xd: {  	[smem:$0x3F9E] =	sst s5  }
0xe: {  	[smem:$0x3F9F] =	sst s6  }
0xf: {  	[smem:$0x3FA0] =	sst s7  }
0x10: {  	[smem:$0x3FA1] =	sst s8  }
0x11: {  	[smem:$0x3FA2] =	sst s9;
	s0 =	simm.s32 @!p0 $0x0  }
0x12: {  	s1 =	sld [smem:$0x3F88];
	s0 =	simm.s32 @p0 $0x1  }
0x13: {  	[smem:$0x3FA3] =	sst s0;
	s0 =	simm.s32 @!p1 $0x0  }
0x14: {  	s2 =	sld [smem:$0x3F87];
	s0 =	simm.s32 @p1 $0x1  }
0x15: {  	[smem:$0x3FA4] =	sst s0;
	s0 =	simm.s32 @!p2 $0x0  }
0x16: {  	s3 =	sld [smem:$0x3FDB];
	s0 =	simm.s32 @p2 $0x1  }
0x17: {  	s4 =	simm.s32 $0x1BF5;
	[smem:$0x3FA6] =	sst s0  }
0x18: {  	s0 =	sld [smem:$0x3F89];
	_ =	swait.ge [sflag:s4], $0x0  }
0x19: {  	s7 =	sld [smem:$0x3F8A]  }
0x1a: {  	s8 =	sadd.s32 $0xFFFFE003, lr  }
0x1b: {  	s9 =	sadd.s32 $0xFFFFFEF7, lr;
	s5 =	simm.s32 $0xFFFFFFFF;
	p2 =	slt.u32 s8, $0xFFFFF086  }
0x1c: {  	p1 =	slt.u32 s9, $0xF7A;
	s5 =	simm.s32 @!p2 $0x0  }
0x1d: {  	s5 =	simm.s32 @p1 $0x1;
	p0 =	seq.s32 s7, s2  }
0x1e: {  	s7 =	smul.u32 @!p0 $0xF7A, s2;
	p2 =	seq.s32 @!p0 s5, $0x0  }
0x1f: {  	s9 =	smul.u32 $0xF7A, s1;
	s8 =	simm.s32 @!p0 $0x1BF5;
	p2 =	por !p2, p0  }
0x20: {  	[sflag:s8] =	ssyncset.s32 @!p0 $0xFFFFF086;
	s6 =	sadd.s32 @!p0 s3, s7;
	s7 =	simm.s32 @!p0 $0x108  }
0x21: {  	s3 =	sadd.s32 s3, s9;
	s6 =	sadd.s32 @!p0 $0x88, s6;
	s7 =	simm.s32 @p2 $0x1082  }
0x22: {  	[simem:s7], [sflag:s8] =	dma.local @!p0 [hbm:s6], $0xF7A  }
0x23: {  	s9 =	sor.u32 $0xD0000000, s2;
	s6 =	simm.s32 $0x108;
	_ =	swait.ge @!p0 [sflag:s8], $0x0  }
0x24: {  	s3 =	sadd.s32 $0x88, s3;
	s6 =	simm.s32 @!p1 $0x1082;
	[sflag:s4] =	ssyncset.s32 $0xFFFFF086  }
0x25: {  	[simem:s6], [sflag:s4] =	dma.local [hbm:s3], $0xF7A  }
0x26: {  	[smem:$0x3F8A] =	sst s1;
	(tag) =	ssettag s2;
	_ =	strace s9  }
0x27: {  	s1 =	sld [smem:$0x3F9A]  }
0x28: {  	s2 =	sld [smem:$0x3F9B]  }
0x29: {  	s4 =	sld [smem:$0x3F9D]  }
0x2a: {  	p0 =	seq.s32 s5, $0x0;
	s5 =	sld [smem:$0x3F9E]  }
0x2b: {  	s6 =	sld [smem:$0x3F9F]  }
0x2c: {  	s7 =	sld [smem:$0x3FA0]  }
0x2d: {  	s3 =	simm.s32 $0x108;
	s8 =	sld [smem:$0x3FA1]  }
0x2e: {  	s3 =	simm.s32 @!p0 $0x1082;
	s9 =	sld [smem:$0x3FA2]  }
0x2f: {  	lr =	sadd.s32 s0, s3;
	s0 =	sld [smem:$0x3F99]  }
0x30: {  	s3 =	sld [smem:$0x3F9C]  }
0x31: {  	[smem:$0x3FA5] =	sst s10  }
0x32: {  	s10 =	sld [smem:$0x3FA3];
	_ =	sdelay $0x3  }
0x33: {  	p0 =	seq.s32 s10, $0x1;
	s10 =	sld [smem:$0x3FA5];
	_ =	sdelay $0x3  }
0x34: {  	[smem:$0x3FA5] =	sst s10  }
0x35: {  	s10 =	sld [smem:$0x3FA4];
	_ =	sdelay $0x3  }
0x36: {  	p1 =	seq.s32 s10, $0x1;
	s10 =	sld [smem:$0x3FA5];
	_ =	sdelay $0x3  }
0x37: {  	[smem:$0x3FA5] =	sst s10  }
0x38: {  	s10 =	sld [smem:$0x3FA6]  }
0x39: {  	_ = 	snop;
	(pc) =	sbr.ind lr, $3  }
0x3a: {  	_ = 	snop  }
0x3b: {  	_ = 	snop  }
0x3c: {  	p2 =	seq.s32 s10, $0x1;
	s10 =	sld [smem:$0x3FA5]  }
0x3d: {  	_ =	shalt  }
0x3e: {  	_ =	shalt  }
0x3f: {  	_ =	shalt  }
0x40: {  	_ =	shalt  }
0x41: {  	_ =	shalt  }
0x42: {  	_ =	shalt  }
0x43: {  	_ =	shalt  }
0x44: {  	_ =	shalt  }
0x45: {  	_ =	shalt  }
0x46: {  	_ =	shalt  }
0x47: {  	_ =	shalt  }
0x48: {  	_ =	shalt  }
0x49: {  	_ =	shalt  }
0x4a: {  	_ =	shalt  }
0x4b: {  	_ =	shalt  }
0x4c: {  	_ =	shalt  }
0x4d: {  	_ =	shalt  }
0x4e: {  	_ =	shalt  }
0x4f: {  	_ =	shalt  }
0x50: {  	_ =	shalt  }
0x51: {  	_ =	shalt  }
0x52: {  	_ =	shalt  }
0x53: {  	_ =	shalt  }
0x54: {  	_ =	shalt  }
0x55: {  	_ =	shalt  }
0x56: {  	_ =	shalt  }
0x57: {  	_ =	shalt  }
0x58: {  	_ =	shalt  }
0x59: {  	_ =	shalt  }
0x5a: {  	_ =	shalt  }
0x5b: {  	_ =	shalt  }
0x5c: {  	_ =	shalt  }
0x5d: {  	_ =	shalt  }
0x5e: {  	_ =	shalt  }
0x5f: {  	_ =	shalt  }
0x60: {  	_ =	shalt  }
0x61: {  	_ =	shalt  }
0x62: {  	_ =	shalt  }
0x63: {  	_ =	shalt  }
0x64: {  	_ =	shalt  }
0x65: {  	_ =	shalt  }
0x66: {  	_ =	shalt  }
0x67: {  	_ =	shalt  }
0x68: {  	_ =	shalt  }
0x69: {  	_ =	shalt  }
0x6a: {  	_ =	shalt  }
0x6b: {  	_ =	shalt  }
0x6c: {  	_ =	shalt  }
0x6d: {  	_ =	shalt  }
0x6e: {  	_ =	shalt  }
0x6f: {  	_ =	shalt  }
0x70: {  	_ =	shalt  }
0x71: {  	_ =	shalt  }
0x72: {  	_ =	shalt  }
0x73: {  	_ =	shalt  }
0x74: {  	_ =	shalt  }
0x75: {  	_ =	shalt  }
0x76: {  	_ =	shalt  }
0x77: {  	_ =	shalt  }
0x78: {  	_ =	shalt  }
0x79: {  	_ =	shalt  }
0x7a: {  	_ =	shalt  }
0x7b: {  	_ =	shalt  }
0x7c: {  	_ =	shalt  }
0x7d: {  	_ =	shalt  }
0x7e: {  	_ =	shalt  }
0x7f: {  	_ =	shalt  }
0x80: {  	_ =	shalt  }
0x81: {  	_ =	shalt  }
0x82: {  	_ =	shalt  }
0x83: {  	_ =	shalt  }
0x84: {  	_ =	shalt  }
0x85: {  	_ =	shalt  }
0x86: {  	_ =	shalt  }
0x87: {  	_ =	shalt  }
.Lfunc_end0:
.L_simem_size_0:
called_computation.2_lowered:
.L_overlay_start_0:
0x88: {  	s2 =	sld [smem:$0x3FD9]  }
0x89: {  	s3 =	sld [smem:$0x3FFE];
	_ =	sdelay $0x1  }
0x8a: {  	s1 =	srdreg.scid  }
0x8b: {  	s0 =	sand.u32 $0x1, s1  }
0x8c: {  	s16 =	sshll.u32 s0, $0xA;
	s2 =	sadd.s32 s3, s2  }
0x8d: {  	s2 =	sadd.s32 s2, s16  }
0x8e: {  	[smem:$0x3FB1] =	sst s2  }
0x8f: {  	_ = 	snop  }
0x90: {  	(tm) =	ssettm $0x1  }
0x91: {  	s17 =	sld [smem:$0x3FFB];
	_ =	sdelay $0x3  }
0x92: {  	_ =	strace s17  }
0x93: {  	s2 =	sld [smem:$0x3FFC];
	_ =	sdelay $0x3  }
0x94: {  	_ =	strace s2  }
0x95: {  	s2 =	sld [smem:$0x3FFD];
	_ =	sdelay $0x3  }
0x96: {  	_ =	strace s2  }
0x97: {  	_ =	strace $0x8FFFFFFF  }
0x98: {  	s18 =	sld [smem:$0x3FDB];
	_ =	sdelay $0x1  }
0x99: {  	s19 =	simm.s32 $_scs_section_size  }
0x9a: {  	s4 =	simm.s32 $_size__tile_overlayer_lowered;
	s5 =	simm.s32 $_tile_overlayer_lowered  }
0x9b: {  	s22 =	simm.s32 $0x1BFF;
	s21 =	sshll.u32 s5, $0x1;
	s2 =	sadd.s32 s19, s18  }
0x9c: {  	s6 =	simm.s32 $0x0;
	s20 =	sshll.u32 s4, $0x1;
	s4 =	sadd.s32 s21, s2  }
0x9d: {  	[timem:s6], [sflag:s22] =	dma.local [hbm:s4], s20  }
0x9e: {  	_ =	swait.ge [sflag:s22], s20  }
0x9f: {  	s3 =	ssub.s32 $0x0, s20;
	[sflag:s22] =	ssyncset.done $0x0  }
0xa0: {  	[sflag:s22] =	ssyncadd.s32 s3;
	_ =	sdelay $0x1  }
0xa1: {  	s23 =	simm.s32 $0x1B8B  }
0xa2: {  	_ =	swait.ge [sflag:s23], $0x1  }
0xa3: {  	[sflag:s23] =	ssyncset.done $0x0  }
0xa4: {  	s25 =	simm.s32 $0x1B8E;
	s24 =	sld [smem:$0x3FFE];
	[sflag:s23] =	ssyncadd.s32 $0xFFFFFFFF  }
0xa5: {  	s26 =	simm.s32 $execute0_lowered;
	[smem:$0x3FD2] =	sst s25  }
0xa6: {  	s4 =	sshll.u32 s26, $0x1;
	_ =	strace $0x8000004C;
	[dreg:$0x1] =	wrdreg $0xFFFFFFFF  }
0xa7: {  	s28 =	simm.s32 $_size_execute0_lowered;
	s2 =	sadd.s32 s2, s4;
	[dreg:$0x0] =	wrdreg $0x0  }
0xa8: {  	s4 =	sshll.u32 s28, $0x1;
	[dreg:$0x2] =	wrdreg s2  }
0xa9: {  	[dreg:$0x3] =	wrdreg s4  }
0xaa: {  	[dreg:$0x4] =	wrdreg $0xC0  }
0xab: {  	_ =	task [dreg:s6], $0x5FFFF  }
0xac: {  	[dreg:$0x1] =	wrdreg $0xFFFFFFFF  }
0xad: {  	[dreg:$0x0] =	wrdreg $0x60  }
0xae: {  	[dreg:$0x2] =	wrdreg s24  }
0xaf: {  	[dreg:$0x3] =	wrdreg $0xA8000  }
0xb0: {  	[dreg:$0x4] =	wrdreg $0x9  }
0xb1: {  	_ =	task.clear_ibuf [dreg:s6], $0x5FFFF;
	_ =	strace $0x9000004C  }
0xb2: {  	s29 =	simm.s32 $0x9;
	_ =	strace $0x8000004E  }
0xb3: {  	_ =	swait.ge [sflag:s29], $0x1  }
0xb4: {  	[sflag:s29] =	ssyncadd.s32 $0xFFFFFFFF  }
0xb5: {  	_ =	strace $0x9000004E  }
0xb6: {  	_ =	sfence  }
0xb7: {  	s30 =	sld [smem:$0x0];
	_ =	sdelay $0x2  }
0xb8: {  	s31 =	sshll.u32 s1, $0xD;
	s1 =	sshrl.u32 s1, $0x2  }
0xb9: {  	s3 =	sand.u32 $0x4000, s31;
	s1 =	sadd.s32 s1, s30  }
0xba: {  	s0 =	sor.u32 s3, s0;
	s1 =	sshll.u32 s1, $0x11  }
0xbb: {  	s0 =	sor.u32 s1, s0  }
0xbc: {  	s0 =	sadd.s32 $0x8F2B, s0  }
0xbd: {  	[sflag:s0] =	ssyncadd.remote.s32 $0x1  }
0xbe: {  	_ =	sfence.sel $0xFFFF  }
0xbf: {  	[dreg:$0x0] =	wrdreg $0xFFFFFFFF;
	(pc) =	sbr.abs _section_cstart, $3  }
0xc0: {  	[dreg:$0x1] =	wrdreg $0xFFFFFFFF  }
0xc1: {  	_ =	task.clear_ibuf [dreg:s6], $0x2FFFF;
	_ =	strace $0x9FFFFFFF  }
0xc2: {  	(tm) =	ssettm $0x7FFFFFFF  }
0xc3: {  	_ =	shalt  }
tec
execute0_lowered:
.L_overlay_start_1:
0x0: {  	(tag) =	ssettag $0x1  }
0x1: {  	s5 =	rddreg [dreg:$0x0]  }
0x2: {  	s1 =	rddreg [dreg:$0x1]  }
0x3: {  	s0 =	rddreg [dreg:$0x2];
	s3 =	simm.s32 $0x0;
	s4 =	srdreg.scid  }
0x4: {  	s2 =	stileid.u32;
	s14 =	simm.s32 $0x4000;
	s15 =	simm.s32 $0x50  }
0x5: {  	s16 =	simm.s32 $0x1;
	s18 =	simm.s32 $0x0;
	[smem:$0x7FF] =	sst s3  }
0x6: {  	s7 =	sand.u32 $0x1, s4;
	s6 =	sshll.u32 s2, $0xC;
	s11 =	smul.u32 $0x50000, s2  }
0x7: {  	s4 =	sadd.s32 $0x24E00, s5;
	p0 =	seq.s32 s2, $0xF;
	s13 =	smul.u32 $0x14000, s2  }
0x8: {  	s17 =	sshll.u32 s2, $0x6;
	_ =	strace $0x8000004D;
	s8 =	sshll.u32 s7, $0xB  }
0x9: {  	s31 =	ssub.s32 $0x2, s7;
	s12 =	smul.u32 $0x138800, s7;
	s17 =	sor.u32 $0x1C02, s17  }
0xa: {  	s6 =	sor.u32 s8, s6;
	s10 =	sshrl.u32 s31, $0x1;
	s11 =	sshrl.u32 s11, $0x2  }
0xb: {  	s9 =	sadd.s32 s6, s5;
	s5 =	sadd.s32 $0x4C000, s5;
	s6 =	simm.s32 $0x5  }
0xc: {  	s10 =	ssub.s32 s31, s10;
	s6 =	simm.s32 @!p0 $0x8;
	s7 =	sadd.s32 $0x4E00, s9  }
0xd: {  	s8 =	sadd.s32 $0x14E00, s9;
	s9 =	smax.u32 s10, $0x1;
	s10 =	sadd.s32 s11, s1  }
0xe: {  	v0 =	vimm.f32 $0.0e+00;
	s11 =	sadd.s32 s13, s12;
	s12 =	simm.s32 $0x8000;
	s13 =	simm.s32 $0x2  }
.LBB2_1:
0xf: {  	s19 =	sand.u32 $0xFE00, s3  }
0x10: {  	s20 =	sand.u32 $0x70, s3;
	s21 =	sshrl.u32 s19, $0x2  }
0x11: {  	s19 =	simm.s32 $0x40;
	s21 =	sor.u32 s20, s21;
	s20 =	simm.s32 $0x0  }
.LBB2_2:
0x12: {  	p0 =	sne.s32 s19, $0x9FC0  }
0x13: {  	[tilespmem:s21+$0x8000] =	vst v0;
	s20 =	sadd.s32 $0x10, s20;
	s21 =	smov.u32 s19;
	s19 =	sadd.s32 $0x40, s19  }
.Ltmp0:
0x14: {  	(pc) =	sbr.rel @p0 .LBB2_2-.Ltmp0, $4  }
0x15: {  	_ = 	snop  }
0x16: {  	s21 =	sand.u32 $0xFE00, s21  }
0x17: {  	s22 =	sand.u32 $0x70, s20;
	s21 =	sshrl.u32 s21, $0x2  }
0x18: {  	s21 =	sor.u32 s22, s21  }
0x19: {  	p0 =	sne.s32 s6, $0x1  }
.Ltmp1:
0x1a: {  	_ = 	snop;
	(pc) =	sbr.rel @!p0 .LBB2_5-.Ltmp1, $4  }
0x1b: {  	[tilespmem:s21+$0x8000] =	vst v0  }
0x1c: {  	[spmem:s10] =	stream.linear.scatter [tilespmem:s12], [sflag:$0x2], $0x2800, $0x38;
	[tilespmem:$0x1E080] =	vst v63  }
0x1d: {  	_ =	swait.ge [sflag:s13], $0x2800  }
0x1e: {  	s19 =	sadd.s32 $0xFFFFFFFF, s6;
	s20 =	smov.u32 s10;
	[sflag:s13] =	ssyncset.done $0x0  }
.LBB2_4:
0x1f: {  	p1 =	sne.s32 s19, $0x1;
	[sflag:s13] =	ssyncadd.s32 $0xFFFFD800;
	s20 =	sadd.s32 $0x2800, s20  }
.Ltmp2:
0x20: {  	s19 =	sadd.s32 $0xFFFFFFFF, s19;
	(pc) =	sbr.rel @p1 .LBB2_4-.Ltmp2, $4  }
0x21: {  	_ = 	snop  }
0x22: {  	[spmem:s20] =	stream.linear.scatter [tilespmem:s12], [sflag:$0x2], $0x2800, $0x38;
	[tilespmem:$0x1E080] =	vst v63  }
0x23: {  	_ =	swait.ge [sflag:s13], $0x2800  }
0x24: {  	[sflag:s13] =	ssyncset.done $0x0  }
.LBB2_5:
0x25: {  	[sflag:s13] =	ssyncadd.s32 $0xFFFFD800;
	s19 =	simm.s32 $0x0  }
0x26: {  	[tilespmem:s19], [sflag:$0x2] =	stream.linear.gather [hbm4b:s7+s19], $0x3E80, $0x38;
	[tilespmem:$0x1E080] =	vst v63  }
0x27: {  	_ =	swait.ge [sflag:s13], $0x3E80  }
0x28: {  	[sflag:s13] =	ssyncset.done $0x0  }
0x29: {  	[sflag:s13] =	ssyncadd.s32 $0xFFFFC180  }
0x2a: {  	[tilespmem:s14], [sflag:$0x2] =	stream.linear.gather [hbm4b:s8+s19], $0x3E80, $0x38;
	[tilespmem:$0x1E080] =	vst v63  }
0x2b: {  	_ =	swait.ge [sflag:s13], $0x3E80  }
0x2c: {  	[sflag:s13] =	ssyncset.done $0x0  }
0x2d: {  	[sflag:s13] =	ssyncadd.s32 $0xFFFFC180  }
0x2e: {  	s30 =	simm.s32 $0x0;
	[bflag:$0x0] =	sbarrier.arrive $0xFFFF  }
0x2f: {  	[tilespmem:s12], [sflag:$0x1] =	stream.indirect.gather [hbm4b:s4+s15], $0x80, s30, s15, $0xb8;
	[tilespmem:$0x1E080] =	vst v63  }
0x30: {  	_ =	swait.ge [sflag:s16], $0x2800  }
0x31: {  	[sflag:s16] =	ssyncset.done $0x0  }
0x32: {  	s31 =	simm.s32 $0x4000;
	[sflag:s16] =	ssyncadd.s32 $0xFFFFD800  }
0x33: {  	[spmem:s1] =	stream.indirect.scatter.add.f32 [tilespmem:s12], [sflag:$0x2], $0x80, s31, s15, $0xb8;
	[tilespmem:$0x1E080] =	vst v63  }
0x34: {  	_ =	swait.ge [sflag:s13], $0x2800  }
0x35: {  	s20 =	simm.s32 $0x400;
	s19 =	simm.s32 $0x200;
	[sflag:s13] =	ssyncset.done $0x0  }
.LBB2_6:
0x36: {  	s21 =	sshra.s32 s19, $0x2  }
0x37: {  	[sflag:s13] =	ssyncadd.s32 $0xFFFFD800;
	s19 =	smov.u32 s20;
	s22 =	sadd.s32 $0x200, s20  }
0x38: {  	[tilespmem:s12], [sflag:$0x1] =	stream.indirect.gather [hbm4b:s4+s15], $0x80, s21, s15, $0xb8;
	[tilespmem:$0x1E080] =	vst v63  }
0x39: {  	p1 =	sne.s32 s20, $0xF800;
	_ =	swait.ge [sflag:s16], $0x2800  }
.Ltmp3:
0x3a: {  	[sflag:s16] =	ssyncset.done $0x0;
	(pc) =	sbr.rel @p1 .LBB2_6-.Ltmp3, $4  }
0x3b: {  	s20 =	sadd.s32 $0x4000, s21;
	[sflag:s16] =	ssyncadd.s32 $0xFFFFD800  }
0x3c: {  	[spmem:s1] =	stream.indirect.scatter.add.f32 [tilespmem:s12], [sflag:$0x2], $0x80, s20, s15, $0xb8;
	[tilespmem:$0x1E080] =	vst v63  }
0x3d: {  	_ =	swait.ge [sflag:s13], $0x2800  }
0x3e: {  	s20 =	smov.u32 s22;
	[sflag:s13] =	ssyncset.done $0x0  }
0x3f: {  	s19 =	sshra.s32 s19, $0x2;
	[sflag:s13] =	ssyncadd.s32 $0xFFFFD800  }
0x40: {  	[tilespmem:s12], [sflag:$0x1] =	stream.indirect.gather [hbm4b:s4+s15], $0x80, s19, s15, $0xb8;
	[tilespmem:$0x1E080] =	vst v63  }
0x41: {  	_ =	swait.ge [sflag:s16], $0x2800  }
0x42: {  	[sflag:s16] =	ssyncset.done $0x0  }
0x43: {  	s19 =	sadd.s32 $0x4000, s19;
	[sflag:s16] =	ssyncadd.s32 $0xFFFFD800  }
0x44: {  	[spmem:s1] =	stream.indirect.scatter.add.f32 [tilespmem:s12], [sflag:$0x2], $0x80, s19, s15, $0xb8;
	[tilespmem:$0x1E080] =	vst v63  }
0x45: {  	_ =	swait.ge [sflag:s13], $0x2800  }
.Ltmp4:
0x46: {  	[sflag:s13] =	ssyncset.done $0x0;
	(pc) =	sbr.rel @!p0 .LBB2_9-.Ltmp4, $4  }
0x47: {  	s31 =	sshrl.u32 s11, $0x3;
	s20 =	sshrl.u32 s10, $0x3;
	[sflag:s13] =	ssyncadd.s32 $0xFFFFD800  }
0x48: {  	s21 =	smov.u32 s10;
	s19 =	sadd.s32 s5, s31;
	[bflag:$0x0] =	sbarrier.arrive $0xFFFF  }
0x49: {  	[hbm:s19], [sflag:s17] =	dma.local [spmem:s20], $0x500  }
0x4a: {  	s19 =	sadd.s32 $0xFFFFFFFF, s6;
	s20 =	sadd.s32 $0x2800, s11;
	_ =	swait.ge [sflag:s13], $0x500  }
.LBB2_8:
0x4b: {  	s22 =	sshrl.u32 s20, $0x3;
	[sflag:s13] =	ssyncset.done $0x0  }
0x4c: {  	s21 =	sadd.s32 $0x2800, s21;
	p0 =	sne.s32 s19, $0x1;
	s22 =	sadd.s32 s5, s22  }
.Ltmp5:
0x4d: {  	s23 =	sshrl.u32 s21, $0x3;
	[sflag:s13] =	ssyncadd.s32 $0xFFFFFB00;
	(pc) =	sbr.rel @p0 .LBB2_8-.Ltmp5, $3  }
0x4e: {  	[hbm:s22], [sflag:s17] =	dma.local [spmem:s23], $0x500  }
0x4f: {  	s19 =	sadd.s32 $0xFFFFFFFF, s19;
	_ =	sdelay $0x1  }
0x50: {  	s20 =	sadd.s32 $0x2800, s20;
	_ =	swait.ge [sflag:s13], $0x500  }
.LBB2_9:
0x51: {  	s18 =	sadd.s32 $0x1, s18  }
0x52: {  	p0 =	sne.s32 s18, s9  }
.Ltmp6:
0x53: {  	_ = 	snop;
	(pc) =	sbr.rel @p0 .LBB2_1-.Ltmp6, $3  }
0x54: {  	_ =	sdelay $0x1  }
0x55: {  	[sflag:s13] =	ssyncset.done $0x0  }
0x56: {  	[sflag:s13] =	ssyncadd.s32 $0xFFFFFB00  }
0x57: {  	_ =	sfence.sel $0x180000  }
0x58: {  	[bflag:$0x0] =	sbarrier.arrive $0xFFFF  }
0x59: {  	p0 =	sne.s32 s2, $0x0;
	_ =	strace $0x9000004D  }
0x5a: {  	s0 =	sadd.s32 @!p0 $0x100000, s0;
	[bflag:$0x2] =	sbarrier.arrive $0xFFFF  }
0x5b: {  	[sflag:s0] =	ssyncadd.tile.s32 @!p0 $0x1;
	_ =	shalt  }
.Lfunc_end2:
_tile_overlayer_lowered:
.L_overlay_start_2:
0x5c: {  	(tag) =	ssettag $0x2  }
0x5d: {  	s0 =	rddreg [dreg:$0x0];
	s2 =	stileid.u32  }
0x5e: {  	s1 =	rddreg [dreg:$0x1];
	p0 =	sne.s32 s2, $0x0  }
0x5f: {  	s3 =	rddreg [dreg:$0x2];
	[bflag:$0x3] =	sbarrier.arrive $0xFFFF;
	s2 =	simm.s32 @!p0 $0x1C02  }
0x60: {  	[timem:s3], [sflag:s2] =	dma.local @!p0 [hbm:s0], s1  }
0x61: {  	s0 =	simm.s32 @!p0 $0x2  }
0x62: {  	_ =	swait.ge @!p0 [sflag:s0], s1  }
0x63: {  	s1 =	ssub.s32 @!p0 $0x0, s1;
	[sflag:s0] =	ssyncset.done @!p0 $0x0  }
0x64: {  	[sflag:s0] =	ssyncadd.s32 @!p0 s1  }
0x65: {  	[bflag:$0x3] =	sbarrier.arrive $0xFFFF  }
0x66: {  	_ =	shalt  }

// kernel: kernel.8.cloned.1.call-start
scs
__scs_entry_jumppad:
0x0: {  	(pc) =	sbr.rel $0x88, $3  }
0x1: {  	(tag) =	ssettag $0x0;
	lr =	simm.s32 $0x1  }
0x2: {  	[smem:$0x3F8A] =	sst lr;
	_ =	strace $0xD0000000  }
0x3: {  	_ = 	snop  }
0x4: {  	_ = 	snop  }
0x5: {  	_ = 	snop  }
0x6: {  	_ = 	snop  }
0x7: {  	_ = 	snop  }
__scs_overlays_trampoline_lowered:
0x8: {  	[smem:$0x3F99] =	sst s0  }
0x9: {  	[smem:$0x3F9A] =	sst s1  }
0xa: {  	[smem:$0x3F9B] =	sst s2  }
0xb: {  	[smem:$0x3F9C] =	sst s3  }
0xc: {  	[smem:$0x3F9D] =	sst s4  }
0xd: {  	[smem:$0x3F9E] =	sst s5  }
0xe: {  	[smem:$0x3F9F] =	sst s6  }
0xf: {  	[smem:$0x3FA0] =	sst s7  }
0x10: {  	[smem:$0x3FA1] =	sst s8  }
0x11: {  	[smem:$0x3FA2] =	sst s9;
	s0 =	simm.s32 @!p0 $0x0  }
0x12: {  	s1 =	sld [smem:$0x3F88];
	s0 =	simm.s32 @p0 $0x1  }
0x13: {  	[smem:$0x3FA3] =	sst s0;
	s0 =	simm.s32 @!p1 $0x0  }
0x14: {  	s2 =	sld [smem:$0x3F87];
	s0 =	simm.s32 @p1 $0x1  }
0x15: {  	[smem:$0x3FA4] =	sst s0;
	s0 =	simm.s32 @!p2 $0x0  }
0x16: {  	s3 =	sld [smem:$0x3FDB];
	s0 =	simm.s32 @p2 $0x1  }
0x17: {  	s4 =	simm.s32 $0x1BF5;
	[smem:$0x3FA6] =	sst s0  }
0x18: {  	s0 =	sld [smem:$0x3F89];
	_ =	swait.ge [sflag:s4], $0x0  }
0x19: {  	s7 =	sld [smem:$0x3F8A]  }
0x1a: {  	s8 =	sadd.s32 $0xFFFFE003, lr  }
0x1b: {  	s9 =	sadd.s32 $0xFFFFFEF7, lr;
	s5 =	simm.s32 $0xFFFFFFFF;
	p2 =	slt.u32 s8, $0xFFFFF086  }
0x1c: {  	p1 =	slt.u32 s9, $0xF7A;
	s5 =	simm.s32 @!p2 $0x0  }
0x1d: {  	s5 =	simm.s32 @p1 $0x1;
	p0 =	seq.s32 s7, s2  }
0x1e: {  	s7 =	smul.u32 @!p0 $0xF7A, s2;
	p2 =	seq.s32 @!p0 s5, $0x0  }
0x1f: {  	s9 =	smul.u32 $0xF7A, s1;
	s8 =	simm.s32 @!p0 $0x1BF5;
	p2 =	por !p2, p0  }
0x20: {  	[sflag:s8] =	ssyncset.s32 @!p0 $0xFFFFF086;
	s6 =	sadd.s32 @!p0 s3, s7;
	s7 =	simm.s32 @!p0 $0x108  }
0x21: {  	s3 =	sadd.s32 s3, s9;
	s6 =	sadd.s32 @!p0 $0x88, s6;
	s7 =	simm.s32 @p2 $0x1082  }
0x22: {  	[simem:s7], [sflag:s8] =	dma.local @!p0 [hbm:s6], $0xF7A  }
0x23: {  	s9 =	sor.u32 $0xD0000000, s2;
	s6 =	simm.s32 $0x108;
	_ =	swait.ge @!p0 [sflag:s8], $0x0  }
0x24: {  	s3 =	sadd.s32 $0x88, s3;
	s6 =	simm.s32 @!p1 $0x1082;
	[sflag:s4] =	ssyncset.s32 $0xFFFFF086  }
0x25: {  	[simem:s6], [sflag:s4] =	dma.local [hbm:s3], $0xF7A  }
0x26: {  	[smem:$0x3F8A] =	sst s1;
	(tag) =	ssettag s2;
	_ =	strace s9  }
0x27: {  	s1 =	sld [smem:$0x3F9A]  }
0x28: {  	s2 =	sld [smem:$0x3F9B]  }
0x29: {  	s4 =	sld [smem:$0x3F9D]  }
0x2a: {  	p0 =	seq.s32 s5, $0x0;
	s5 =	sld [smem:$0x3F9E]  }
0x2b: {  	s6 =	sld [smem:$0x3F9F]  }
0x2c: {  	s7 =	sld [smem:$0x3FA0]  }
0x2d: {  	s3 =	simm.s32 $0x108;
	s8 =	sld [smem:$0x3FA1]  }
0x2e: {  	s3 =	simm.s32 @!p0 $0x1082;
	s9 =	sld [smem:$0x3FA2]  }
0x2f: {  	lr =	sadd.s32 s0, s3;
	s0 =	sld [smem:$0x3F99]  }
0x30: {  	s3 =	sld [smem:$0x3F9C]  }
0x31: {  	[smem:$0x3FA5] =	sst s10  }
0x32: {  	s10 =	sld [smem:$0x3FA3];
	_ =	sdelay $0x3  }
0x33: {  	p0 =	seq.s32 s10, $0x1;
	s10 =	sld [smem:$0x3FA5];
	_ =	sdelay $0x3  }
0x34: {  	[smem:$0x3FA5] =	sst s10  }
0x35: {  	s10 =	sld [smem:$0x3FA4];
	_ =	sdelay $0x3  }
0x36: {  	p1 =	seq.s32 s10, $0x1;
	s10 =	sld [smem:$0x3FA5];
	_ =	sdelay $0x3  }
0x37: {  	[smem:$0x3FA5] =	sst s10  }
0x38: {  	s10 =	sld [smem:$0x3FA6]  }
0x39: {  	_ = 	snop;
	(pc) =	sbr.ind lr, $3  }
0x3a: {  	_ = 	snop  }
0x3b: {  	_ = 	snop  }
0x3c: {  	p2 =	seq.s32 s10, $0x1;
	s10 =	sld [smem:$0x3FA5]  }
0x3d: {  	_ =	shalt  }
0x3e: {  	_ =	shalt  }
0x3f: {  	_ =	shalt  }
0x40: {  	_ =	shalt  }
0x41: {  	_ =	shalt  }
0x42: {  	_ =	shalt  }
0x43: {  	_ =	shalt  }
0x44: {  	_ =	shalt  }
0x45: {  	_ =	shalt  }
0x46: {  	_ =	shalt  }
0x47: {  	_ =	shalt  }
0x48: {  	_ =	shalt  }
0x49: {  	_ =	shalt  }
0x4a: {  	_ =	shalt  }
0x4b: {  	_ =	shalt  }
0x4c: {  	_ =	shalt  }
0x4d: {  	_ =	shalt  }
0x4e: {  	_ =	shalt  }
0x4f: {  	_ =	shalt  }
0x50: {  	_ =	shalt  }
0x51: {  	_ =	shalt  }
0x52: {  	_ =	shalt  }
0x53: {  	_ =	shalt  }
0x54: {  	_ =	shalt  }
0x55: {  	_ =	shalt  }
0x56: {  	_ =	shalt  }
0x57: {  	_ =	shalt  }
0x58: {  	_ =	shalt  }
0x59: {  	_ =	shalt  }
0x5a: {  	_ =	shalt  }
0x5b: {  	_ =	shalt  }
0x5c: {  	_ =	shalt  }
0x5d: {  	_ =	shalt  }
0x5e: {  	_ =	shalt  }
0x5f: {  	_ =	shalt  }
0x60: {  	_ =	shalt  }
0x61: {  	_ =	shalt  }
0x62: {  	_ =	shalt  }
0x63: {  	_ =	shalt  }
0x64: {  	_ =	shalt  }
0x65: {  	_ =	shalt  }
0x66: {  	_ =	shalt  }
0x67: {  	_ =	shalt  }
0x68: {  	_ =	shalt  }
0x69: {  	_ =	shalt  }
0x6a: {  	_ =	shalt  }
0x6b: {  	_ =	shalt  }
0x6c: {  	_ =	shalt  }
0x6d: {  	_ =	shalt  }
0x6e: {  	_ =	shalt  }
0x6f: {  	_ =	shalt  }
0x70: {  	_ =	shalt  }
0x71: {  	_ =	shalt  }
0x72: {  	_ =	shalt  }
0x73: {  	_ =	shalt  }
0x74: {  	_ =	shalt  }
0x75: {  	_ =	shalt  }
0x76: {  	_ =	shalt  }
0x77: {  	_ =	shalt  }
0x78: {  	_ =	shalt  }
0x79: {  	_ =	shalt  }
0x7a: {  	_ =	shalt  }
0x7b: {  	_ =	shalt  }
0x7c: {  	_ =	shalt  }
0x7d: {  	_ =	shalt  }
0x7e: {  	_ =	shalt  }
0x7f: {  	_ =	shalt  }
0x80: {  	_ =	shalt  }
0x81: {  	_ =	shalt  }
0x82: {  	_ =	shalt  }
0x83: {  	_ =	shalt  }
0x84: {  	_ =	shalt  }
0x85: {  	_ =	shalt  }
0x86: {  	_ =	shalt  }
0x87: {  	_ =	shalt  }
.Lfunc_end0:
.L_simem_size_0:
called_computation_lowered:
.L_overlay_start_0:
0x88: {  	s2 =	sld [smem:$0x3FD9]  }
0x89: {  	s3 =	sld [smem:$0x3FFE];
	_ =	sdelay $0x1  }
0x8a: {  	s1 =	srdreg.scid  }
0x8b: {  	s0 =	sand.u32 $0x1, s1  }
0x8c: {  	s17 =	sshll.u32 s0, $0xA;
	s2 =	sadd.s32 s3, s2  }
0x8d: {  	s2 =	sadd.s32 s2, s17  }
0x8e: {  	[smem:$0x3FB1] =	sst s2  }
0x8f: {  	_ = 	snop  }
0x90: {  	s2 =	sld [smem:$0x3FC9];
	(tm) =	ssettm $0x1  }
0x91: {  	s18 =	sld [smem:$0x3FFB];
	_ =	sdelay $0x3  }
0x92: {  	_ =	strace s18  }
0x93: {  	s3 =	sld [smem:$0x3FFC];
	_ =	sdelay $0x3  }
0x94: {  	_ =	strace s3  }
0x95: {  	s3 =	sld [smem:$0x3FFD];
	_ =	sdelay $0x3  }
0x96: {  	_ =	strace s3  }
0x97: {  	_ =	strace $0x8FFFFFFF  }
0x98: {  	s19 =	sld [smem:$0x3FDB];
	_ =	sdelay $0x1  }
0x99: {  	s4 =	simm.s32 $_scs_section_size  }
0x9a: {  	s5 =	simm.s32 $_size__tile_overlayer_lowered;
	s6 =	simm.s32 $_tile_overlayer_lowered  }
0x9b: {  	s22 =	simm.s32 $0x1BFF;
	s21 =	sshll.u32 s6, $0x1;
	s3 =	sadd.s32 s4, s19  }
0x9c: {  	s7 =	simm.s32 $0x0;
	s20 =	sshll.u32 s5, $0x1;
	s5 =	sadd.s32 s21, s3  }
0x9d: {  	[timem:s7], [sflag:s22] =	dma.local [hbm:s5], s20  }
0x9e: {  	_ =	swait.ge [sflag:s22], s20  }
0x9f: {  	s4 =	ssub.s32 $0x0, s20;
	[sflag:s22] =	ssyncset.done $0x0  }
0xa0: {  	[sflag:s22] =	ssyncadd.s32 s4;
	_ =	sdelay $0x1  }
0xa1: {  	s23 =	simm.s32 $0x1B8B  }
0xa2: {  	_ =	swait.ge [sflag:s23], $0x1  }
0xa3: {  	[sflag:s23] =	ssyncset.done $0x0  }
0xa4: {  	s25 =	simm.s32 $0x1B8E;
	s24 =	sld [smem:$0x3FFE];
	[sflag:s23] =	ssyncadd.s32 $0xFFFFFFFF  }
0xa5: {  	s26 =	simm.s32 $execute0_lowered;
	[smem:$0x3FD2] =	sst s25  }
0xa6: {  	s5 =	sshll.u32 s26, $0x1;
	_ =	strace $0x80000046;
	[dreg:$0x1] =	wrdreg $0xFFFFFFFF  }
0xa7: {  	s28 =	simm.s32 $_size_execute0_lowered;
	s3 =	sadd.s32 s3, s5;
	[dreg:$0x0] =	wrdreg $0x0  }
0xa8: {  	s5 =	sshll.u32 s28, $0x1;
	[dreg:$0x2] =	wrdreg s3  }
0xa9: {  	[dreg:$0x3] =	wrdreg s5  }
0xaa: {  	[dreg:$0x4] =	wrdreg $0xC0  }
0xab: {  	_ =	task [dreg:s7], $0x5FFFF  }
0xac: {  	[dreg:$0x1] =	wrdreg $0xFFFFFFFF  }
0xad: {  	[dreg:$0x0] =	wrdreg $0x60  }
0xae: {  	[dreg:$0x2] =	wrdreg s2  }
0xaf: {  	[dreg:$0x3] =	wrdreg s24  }
0xb0: {  	[dreg:$0x4] =	wrdreg $0xA8000  }
0xb1: {  	[dreg:$0x5] =	wrdreg $0x9  }
0xb2: {  	_ =	task.clear_ibuf [dreg:s7], $0x6FFFF;
	_ =	strace $0x90000046  }
0xb3: {  	s29 =	simm.s32 $0x9;
	_ =	strace $0x80000048  }
0xb4: {  	_ =	swait.ge [sflag:s29], $0x1  }
0xb5: {  	[sflag:s29] =	ssyncadd.s32 $0xFFFFFFFF  }
0xb6: {  	_ =	strace $0x90000048  }
0xb7: {  	_ =	sfence  }
0xb8: {  	s30 =	sld [smem:$0x0];
	_ =	sdelay $0x2  }
0xb9: {  	s31 =	sshll.u32 s1, $0xD;
	s1 =	sshrl.u32 s1, $0x2  }
0xba: {  	s3 =	sand.u32 $0x4000, s31;
	s1 =	sadd.s32 s1, s30  }
0xbb: {  	s0 =	sor.u32 s3, s0;
	s1 =	sshll.u32 s1, $0x11  }
0xbc: {  	s0 =	sor.u32 s1, s0  }
0xbd: {  	s0 =	sadd.s32 $0x8F2B, s0  }
0xbe: {  	[sflag:s0] =	ssyncadd.remote.s32 $0x1  }
0xbf: {  	_ =	sfence.sel $0xFFFF  }
0xc0: {  	[dreg:$0x0] =	wrdreg $0xFFFFFFFF;
	(pc) =	sbr.abs _section_cstart, $3  }
0xc1: {  	[dreg:$0x1] =	wrdreg $0xFFFFFFFF  }
0xc2: {  	_ =	task.clear_ibuf [dreg:s7], $0x2FFFF;
	_ =	strace $0x9FFFFFFF  }
0xc3: {  	(tm) =	ssettm $0x7FFFFFFF  }
tec
execute0_lowered:
.L_overlay_start_1:
0x0: {  	(tag) =	ssettag $0x1  }
0x1: {  	s1 =	rddreg [dreg:$0x0]  }
0x2: {  	s5 =	rddreg [dreg:$0x1]  }
0x3: {  	s3 =	rddreg [dreg:$0x2]  }
0x4: {  	s0 =	rddreg [dreg:$0x3];
	s6 =	srdreg.scid  }
0x5: {  	s4 =	simm.s32 $0x0;
	s2 =	stileid.u32;
	s14 =	simm.s32 $0x4000  }
0x6: {  	s15 =	simm.s32 $0x50;
	s16 =	simm.s32 $0x1;
	s18 =	simm.s32 $0x0  }
0x7: {  	s7 =	sand.u32 $0x1, s6;
	[smem:$0x7FF] =	sst s4;
	s11 =	smul.u32 $0x50000, s2  }
0x8: {  	s30 =	sshll.u32 s2, $0xC;
	p0 =	seq.s32 s2, $0xF;
	s13 =	smul.u32 $0x14000, s2  }
0x9: {  	s17 =	sshll.u32 s2, $0x6;
	s8 =	sshll.u32 s7, $0xB;
	_ =	strace $0x80000047  }
0xa: {  	s31 =	ssub.s32 $0x2, s7;
	s12 =	smul.u32 $0x138800, s7;
	s17 =	sor.u32 $0x1C02, s17  }
0xb: {  	s6 =	sor.u32 s8, s30;
	s10 =	sshrl.u32 s31, $0x1;
	s11 =	sshrl.u32 s11, $0x2  }
0xc: {  	s9 =	sadd.s32 s6, s5;
	s5 =	sadd.s32 $0x24E00, s5;
	s6 =	simm.s32 $0x5  }
0xd: {  	s10 =	ssub.s32 s31, s10;
	s6 =	simm.s32 @!p0 $0x8;
	s7 =	sadd.s32 $0x4E00, s9  }
0xe: {  	s8 =	sadd.s32 $0x14E00, s9;
	s9 =	smax.u32 s10, $0x1;
	s10 =	sadd.s32 s11, s3  }
0xf: {  	v0 =	vimm.f32 $0.0e+00;
	s11 =	sadd.s32 s13, s12;
	s12 =	simm.s32 $0x8000;
	s13 =	simm.s32 $0x2  }
.LBB2_1:
0x10: {  	s19 =	sand.u32 $0xFE00, s4  }
0x11: {  	s20 =	sand.u32 $0x70, s4;
	s21 =	sshrl.u32 s19, $0x2  }
0x12: {  	s19 =	simm.s32 $0x40;
	s21 =	sor.u32 s20, s21;
	s20 =	simm.s32 $0x0  }
.LBB2_2:
0x13: {  	p0 =	sne.s32 s19, $0x9FC0  }
0x14: {  	[tilespmem:s21+$0x8000] =	vst v0;
	s20 =	sadd.s32 $0x10, s20;
	s21 =	smov.u32 s19;
	s19 =	sadd.s32 $0x40, s19  }
.Ltmp0:
0x15: {  	(pc) =	sbr.rel @p0 .LBB2_2-.Ltmp0, $4  }
0x16: {  	_ = 	snop  }
0x17: {  	s21 =	sand.u32 $0xFE00, s21  }
0x18: {  	s22 =	sand.u32 $0x70, s20;
	s21 =	sshrl.u32 s21, $0x2  }
0x19: {  	s21 =	sor.u32 s22, s21  }
0x1a: {  	p0 =	sne.s32 s6, $0x1  }
.Ltmp1:
0x1b: {  	_ = 	snop;
	(pc) =	sbr.rel @!p0 .LBB2_5-.Ltmp1, $4  }
0x1c: {  	[tilespmem:s21+$0x8000] =	vst v0  }
0x1d: {  	[spmem:s10] =	stream.linear.scatter [tilespmem:s12], [sflag:$0x2], $0x2800, $0x38;
	[tilespmem:$0x1E080] =	vst v63  }
0x1e: {  	_ =	swait.ge [sflag:s13], $0x2800  }
0x1f: {  	s19 =	sadd.s32 $0xFFFFFFFF, s6;
	s20 =	smov.u32 s10;
	[sflag:s13] =	ssyncset.done $0x0  }
.LBB2_4:
0x20: {  	p1 =	sne.s32 s19, $0x1;
	[sflag:s13] =	ssyncadd.s32 $0xFFFFD800;
	s20 =	sadd.s32 $0x2800, s20  }
.Ltmp2:
0x21: {  	s19 =	sadd.s32 $0xFFFFFFFF, s19;
	(pc) =	sbr.rel @p1 .LBB2_4-.Ltmp2, $4  }
0x22: {  	_ = 	snop  }
0x23: {  	[spmem:s20] =	stream.linear.scatter [tilespmem:s12], [sflag:$0x2], $0x2800, $0x38;
	[tilespmem:$0x1E080] =	vst v63  }
0x24: {  	_ =	swait.ge [sflag:s13], $0x2800  }
0x25: {  	[sflag:s13] =	ssyncset.done $0x0  }
.LBB2_5:
0x26: {  	[sflag:s13] =	ssyncadd.s32 $0xFFFFD800;
	s19 =	simm.s32 $0x0  }
0x27: {  	[tilespmem:s19], [sflag:$0x2] =	stream.linear.gather [hbm4b:s7+s19], $0x3E80, $0x38;
	[tilespmem:$0x1E080] =	vst v63  }
0x28: {  	_ =	swait.ge [sflag:s13], $0x3E80  }
0x29: {  	[sflag:s13] =	ssyncset.done $0x0  }
0x2a: {  	[sflag:s13] =	ssyncadd.s32 $0xFFFFC180  }
0x2b: {  	[tilespmem:s14], [sflag:$0x2] =	stream.linear.gather [hbm4b:s8+s19], $0x3E80, $0x38;
	[tilespmem:$0x1E080] =	vst v63  }
0x2c: {  	_ =	swait.ge [sflag:s13], $0x3E80  }
0x2d: {  	[sflag:s13] =	ssyncset.done $0x0  }
0x2e: {  	[sflag:s13] =	ssyncadd.s32 $0xFFFFC180  }
0x2f: {  	s30 =	simm.s32 $0x0;
	[bflag:$0x0] =	sbarrier.arrive $0xFFFF  }
0x30: {  	[tilespmem:s12], [sflag:$0x1] =	stream.indirect.gather [hbm4b:s1+s15], $0x80, s30, s15, $0xb8;
	[tilespmem:$0x1E080] =	vst v63  }
0x31: {  	_ =	swait.ge [sflag:s16], $0x2800  }
0x32: {  	[sflag:s16] =	ssyncset.done $0x0  }
0x33: {  	s31 =	simm.s32 $0x4000;
	[sflag:s16] =	ssyncadd.s32 $0xFFFFD800  }
0x34: {  	[spmem:s3] =	stream.indirect.scatter.add.f32 [tilespmem:s12], [sflag:$0x2], $0x80, s31, s15, $0xb8;
	[tilespmem:$0x1E080] =	vst v63  }
0x35: {  	_ =	swait.ge [sflag:s13], $0x2800  }
0x36: {  	s20 =	simm.s32 $0x400;
	s19 =	simm.s32 $0x200;
	[sflag:s13] =	ssyncset.done $0x0  }
.LBB2_6:
0x37: {  	s21 =	sshra.s32 s19, $0x2  }
0x38: {  	[sflag:s13] =	ssyncadd.s32 $0xFFFFD800;
	s19 =	smov.u32 s20;
	s22 =	sadd.s32 $0x200, s20  }
0x39: {  	[tilespmem:s12], [sflag:$0x1] =	stream.indirect.gather [hbm4b:s1+s15], $0x80, s21, s15, $0xb8;
	[tilespmem:$0x1E080] =	vst v63  }
0x3a: {  	p1 =	sne.s32 s20, $0xF800;
	_ =	swait.ge [sflag:s16], $0x2800  }
.Ltmp3:
0x3b: {  	[sflag:s16] =	ssyncset.done $0x0;
	(pc) =	sbr.rel @p1 .LBB2_6-.Ltmp3, $4  }
0x3c: {  	s20 =	sadd.s32 $0x4000, s21;
	[sflag:s16] =	ssyncadd.s32 $0xFFFFD800  }
0x3d: {  	[spmem:s3] =	stream.indirect.scatter.add.f32 [tilespmem:s12], [sflag:$0x2], $0x80, s20, s15, $0xb8;
	[tilespmem:$0x1E080] =	vst v63  }
0x3e: {  	_ =	swait.ge [sflag:s13], $0x2800  }
0x3f: {  	s20 =	smov.u32 s22;
	[sflag:s13] =	ssyncset.done $0x0  }
0x40: {  	s19 =	sshra.s32 s19, $0x2;
	[sflag:s13] =	ssyncadd.s32 $0xFFFFD800  }
0x41: {  	[tilespmem:s12], [sflag:$0x1] =	stream.indirect.gather [hbm4b:s1+s15], $0x80, s19, s15, $0xb8;
	[tilespmem:$0x1E080] =	vst v63  }
0x42: {  	_ =	swait.ge [sflag:s16], $0x2800  }
0x43: {  	[sflag:s16] =	ssyncset.done $0x0  }
0x44: {  	s19 =	sadd.s32 $0x4000, s19;
	[sflag:s16] =	ssyncadd.s32 $0xFFFFD800  }
0x45: {  	[spmem:s3] =	stream.indirect.scatter.add.f32 [tilespmem:s12], [sflag:$0x2], $0x80, s19, s15, $0xb8;
	[tilespmem:$0x1E080] =	vst v63  }
0x46: {  	_ =	swait.ge [sflag:s13], $0x2800  }
.Ltmp4:
0x47: {  	[sflag:s13] =	ssyncset.done $0x0;
	(pc) =	sbr.rel @!p0 .LBB2_9-.Ltmp4, $4  }
0x48: {  	s31 =	sshrl.u32 s11, $0x3;
	s20 =	sshrl.u32 s10, $0x3;
	[sflag:s13] =	ssyncadd.s32 $0xFFFFD800  }
0x49: {  	s21 =	smov.u32 s10;
	s19 =	sadd.s32 s5, s31;
	[bflag:$0x0] =	sbarrier.arrive $0xFFFF  }
0x4a: {  	[hbm:s19], [sflag:s17] =	dma.local [spmem:s20], $0x500  }
0x4b: {  	s19 =	sadd.s32 $0xFFFFFFFF, s6;
	s20 =	sadd.s32 $0x2800, s11;
	_ =	swait.ge [sflag:s13], $0x500  }
.LBB2_8:
0x4c: {  	s22 =	sshrl.u32 s20, $0x3;
	[sflag:s13] =	ssyncset.done $0x0  }
0x4d: {  	s21 =	sadd.s32 $0x2800, s21;
	p0 =	sne.s32 s19, $0x1;
	s22 =	sadd.s32 s5, s22  }
.Ltmp5:
0x4e: {  	s23 =	sshrl.u32 s21, $0x3;
	[sflag:s13] =	ssyncadd.s32 $0xFFFFFB00;
	(pc) =	sbr.rel @p0 .LBB2_8-.Ltmp5, $3  }
0x4f: {  	[hbm:s22], [sflag:s17] =	dma.local [spmem:s23], $0x500  }
0x50: {  	s19 =	sadd.s32 $0xFFFFFFFF, s19;
	_ =	sdelay $0x1  }
0x51: {  	s20 =	sadd.s32 $0x2800, s20;
	_ =	swait.ge [sflag:s13], $0x500  }
.LBB2_9:
0x52: {  	s18 =	sadd.s32 $0x1, s18  }
0x53: {  	p0 =	sne.s32 s18, s9  }
.Ltmp6:
0x54: {  	_ = 	snop;
	(pc) =	sbr.rel @p0 .LBB2_1-.Ltmp6, $3  }
0x55: {  	_ =	sdelay $0x1  }
0x56: {  	[sflag:s13] =	ssyncset.done $0x0  }
0x57: {  	[sflag:s13] =	ssyncadd.s32 $0xFFFFFB00  }
0x58: {  	_ =	sfence.sel $0x180000  }
0x59: {  	[bflag:$0x0] =	sbarrier.arrive $0xFFFF  }
0x5a: {  	p0 =	sne.s32 s2, $0x0;
	_ =	strace $0x90000047  }
0x5b: {  	s0 =	sadd.s32 @!p0 $0x100000, s0;
	[bflag:$0x2] =	sbarrier.arrive $0xFFFF  }
0x5c: {  	[sflag:s0] =	ssyncadd.tile.s32 @!p0 $0x1;
	_ =	shalt  }
.Lfunc_end2:
_tile_overlayer_lowered:
.L_overlay_start_2:
0x5d: {  	(tag) =	ssettag $0x2  }
0x5e: {  	s0 =	rddreg [dreg:$0x0];
	s2 =	stileid.u32  }
0x5f: {  	s1 =	rddreg [dreg:$0x1];
	p0 =	sne.s32 s2, $0x0  }
0x60: {  	s3 =	rddreg [dreg:$0x2];
	[bflag:$0x3] =	sbarrier.arrive $0xFFFF;
	s2 =	simm.s32 @!p0 $0x1C02  }
0x61: {  	[timem:s3], [sflag:s2] =	dma.local @!p0 [hbm:s0], s1  }
0x62: {  	s0 =	simm.s32 @!p0 $0x2  }
0x63: {  	_ =	swait.ge @!p0 [sflag:s0], s1  }
0x64: {  	s1 =	ssub.s32 @!p0 $0x0, s1;
	[sflag:s0] =	ssyncset.done @!p0 $0x0  }
0x65: {  	[sflag:s0] =	ssyncadd.s32 @!p0 s1  }
0x66: {  	[bflag:$0x3] =	sbarrier.arrive $0xFFFF  }
0x67: {  	_ =	shalt  }

</sc_bundles>
